<compile_context>
chip_gen: v7x
topology: tpu7x:2x2x1
jax: 0.10.2.dev20260603
libtpu: 0.0.44.dev20260713+nightly
codegen_flags: <defaults>
</compile_context>

<pallas_src>
import functools

import jax
import jax.numpy as jnp
from jax import lax
from jax.experimental import pallas as pl
from jax.experimental.pallas import tpu as pltpu
from jax.experimental.pallas import tpu_sc as plsc

B, N, M, C1, C2, CO = 4, 8192, 2048, 128, 256, 128
NB = 256
NBM = 512
NB2 = 2048
_F32_MAX = 3.4e38

NSC = 32
PTS = (B * N) // NSC
CH = 32


def _top3_kernel(unknown_ref, known_ref, idx_ref, wts_ref):
    b = pl.program_id(0)

    u = unknown_ref[0]
    k = known_ref[0]

    d = -2.0 * jax.lax.dot_general(u, k, (((1,), (1,)), ((), ())),
                                   preferred_element_type=jnp.float32)
    d = d + jnp.sum(u * u, axis=1, keepdims=True)
    d = d + jnp.sum(k * k, axis=1)[None, :]

    d1 = jnp.min(d, axis=1, keepdims=True)
    dm = jnp.where(d == d1, _F32_MAX, d)
    d2 = jnp.min(dm, axis=1, keepdims=True)
    dm = jnp.where(dm == d2, _F32_MAX, dm)
    d3 = jnp.min(dm, axis=1, keepdims=True)

    colid = jax.lax.broadcasted_iota(jnp.int32, (NB, M), 1)
    big = jnp.int32(M)
    i1 = jnp.min(jnp.where(d == d1, colid, big), axis=1, keepdims=True)
    i2 = jnp.min(jnp.where(d == d2, colid, big), axis=1, keepdims=True)
    i3 = jnp.min(jnp.where(d == d3, colid, big), axis=1, keepdims=True)

    w1 = 1.0 / (d1 + 1e-8)
    w2 = 1.0 / (d2 + 1e-8)
    w3 = 1.0 / (d3 + 1e-8)
    ws = w1 + w2 + w3

    off = b * M
    idx_ref[0] = jnp.concatenate([i1, i2, i3], axis=1) + off
    wts_ref[0] = jnp.concatenate([w1, w2, w3], axis=1) / ws


def _sc_gather_body(idx_hbm, w_hbm, tab_hbm, out_hbm,
                    idxv, wv0, wv1, rows0, rows1, acc,
                    gsem0, gsem1, wsem0, wsem1):
    cid = lax.axis_index("c")
    sid = lax.axis_index("s")
    wid = sid * 2 + cid
    base = wid * PTS
    nch = PTS // CH

    pltpu.sync_copy(idx_hbm.at[pl.ds(3 * base, 3 * PTS)], idxv)

    def issue(c, rows, wv, gsem, wsem):
        pltpu.async_copy(tab_hbm.at[idxv.at[pl.ds(3 * CH * c, 3 * CH)]],
                         rows, gsem)
        pltpu.async_copy(w_hbm.at[pl.ds(3 * (base + c * CH), 3 * CH)],
                         wv, wsem)

    def run_chunk(c, rows, wv, gsem, wsem, o_rows, o_wv, o_gsem, o_wsem):
        pltpu.make_async_copy(tab_hbm.at[pl.ds(0, 3 * CH)], rows, gsem).wait()
        pltpu.make_async_copy(w_hbm.at[pl.ds(0, 3 * CH)], wv, wsem).wait()

        @pl.when(c + 1 < nch)
        def _():
            issue(c + 1, o_rows, o_wv, o_gsem, o_wsem)

        def point(p, carry2):
            wa = wv[3 * p, :]
            wb = wv[3 * p + 1, :]
            wc = wv[3 * p + 2, :]
            for v in range(C2 // 16):
                sl = pl.ds(v * 16, 16)
                r = (wa * rows[3 * p, sl] + wb * rows[3 * p + 1, sl]
                     + wc * rows[3 * p + 2, sl])
                acc[p, sl] = r
            return carry2

        lax.fori_loop(0, CH, point, 0, unroll=False)
        pltpu.sync_copy(acc, out_hbm.at[pl.ds(base + c * CH, CH)])

    issue(0, rows0, wv0, gsem0, wsem0)

    def chunk(c2, carry):
        c = 2 * c2

        @pl.when(c < nch)
        def _():
            run_chunk(c, rows0, wv0, gsem0, wsem0,
                      rows1, wv1, gsem1, wsem1)

        @pl.when(c + 1 < nch)
        def _():
            run_chunk(c + 1, rows1, wv1, gsem1, wsem1,
                      rows0, wv0, gsem0, wsem0)

        return carry

    lax.fori_loop(0, (nch + 1) // 2, chunk, 0, unroll=False)


def _mlp_kernel(uf_ref, interp_ref, w0_ref, y_ref, stats_ref):
    b = pl.program_id(0)
    nb = pl.program_id(1)

    uf = uf_ref[0]
    it = interp_ref[0]
    w0a = w0_ref[:, :C1]
    w0b = w0_ref[:, C1:]
    y = jnp.dot(w0a, uf, preferred_element_type=jnp.float32)
    y = y + jax.lax.dot_general(w0b, it, (((1,), (1,)), ((), ())),
                                preferred_element_type=jnp.float32)

    y_ref[0] = y

    @pl.when(jnp.logical_and(b == 0, nb == 0))
    def _():
        stats_ref[...] = jnp.zeros_like(stats_ref)

    ps = jnp.sum(y, axis=1, keepdims=True)
    psq = jnp.sum(y * y, axis=1, keepdims=True)
    pad = jnp.zeros((CO, 126), jnp.float32)
    stats_ref[...] += jnp.concatenate([ps, psq, pad], axis=1)


def _bn_kernel(y_ref, stats_ref, params_ref, out_ref):
    cnt = jnp.float32(B * N)
    mean = stats_ref[:, 0:1] / cnt
    ex2 = stats_ref[:, 1:2] / cnt
    var = ex2 - mean * mean
    rstd = jax.lax.rsqrt(var + 1e-5)
    gamma = params_ref[:, 0:1]
    beta = params_ref[:, 1:2]
    y = y_ref[0]
    out = (y - mean) * (rstd * gamma) + beta
    out_ref[0] = jnp.maximum(out, 0.0)


_sc_gather = pl.kernel(
    _sc_gather_body,
    out_type=jax.ShapeDtypeStruct((B * N, C2), jnp.float32),
    mesh=plsc.VectorSubcoreMesh(core_axis_name="c", subcore_axis_name="s"),
    scratch_types=[
        pltpu.VMEM((3 * PTS,), jnp.int32),
        pltpu.VMEM((3 * CH, 16), jnp.float32),
        pltpu.VMEM((3 * CH, 16), jnp.float32),
        pltpu.VMEM((3 * CH, C2), jnp.float32),
        pltpu.VMEM((3 * CH, C2), jnp.float32),
        pltpu.VMEM((CH, C2), jnp.float32),
        pltpu.SemaphoreType.DMA,
        pltpu.SemaphoreType.DMA,
        pltpu.SemaphoreType.DMA,
        pltpu.SemaphoreType.DMA,
    ],
)


@jax.jit
def kernel(unknown, known, unknow_feats, known_feats, W0, gamma0, beta0):
    idx, wts = pl.pallas_call(
        _top3_kernel,
        grid=(B, N // NB),
        in_specs=[
            pl.BlockSpec((1, NB, 3), lambda b, n: (b, n, 0)),
            pl.BlockSpec((1, M, 3), lambda b, n: (b, 0, 0)),
        ],
        out_specs=[
            pl.BlockSpec((1, NB, 3), lambda b, n: (b, n, 0)),
            pl.BlockSpec((1, NB, 3), lambda b, n: (b, n, 0)),
        ],
        out_shape=[
            jax.ShapeDtypeStruct((B, N, 3), jnp.int32),
            jax.ShapeDtypeStruct((B, N, 3), jnp.float32),
        ],
    )(unknown, known)

    table = jnp.transpose(known_feats, (0, 2, 1)).reshape(B * M, C2)
    wts_splat = jnp.broadcast_to(wts.reshape(B * N * 3, 1), (B * N * 3, 16))
    interp = _sc_gather(idx.reshape(B * N * 3), wts_splat, table)
    interp = interp.reshape(B, N, C2)

    y_raw, stats = pl.pallas_call(
        _mlp_kernel,
        grid=(B, N // NBM),
        in_specs=[
            pl.BlockSpec((1, C1, NBM), lambda b, n: (b, 0, n)),
            pl.BlockSpec((1, NBM, C2), lambda b, n: (b, n, 0)),
            pl.BlockSpec((CO, C1 + C2), lambda b, n: (0, 0)),
        ],
        out_specs=[
            pl.BlockSpec((1, CO, NBM), lambda b, n: (b, 0, n)),
            pl.BlockSpec((CO, 128), lambda b, n: (0, 0)),
        ],
        out_shape=[
            jax.ShapeDtypeStruct((B, CO, N), jnp.float32),
            jax.ShapeDtypeStruct((CO, 128), jnp.float32),
        ],
    )(unknow_feats, interp, W0)

    params = jnp.zeros((CO, 128), jnp.float32)
    params = params.at[:, 0].set(gamma0).at[:, 1].set(beta0)

    out = pl.pallas_call(
        _bn_kernel,
        grid=(B, N // NB2),
        in_specs=[
            pl.BlockSpec((1, CO, NB2), lambda b, n: (b, 0, n)),
            pl.BlockSpec((CO, 128), lambda b, n: (0, 0)),
            pl.BlockSpec((CO, 128), lambda b, n: (0, 0)),
        ],
        out_specs=pl.BlockSpec((1, CO, NB2), lambda b, n: (b, 0, n)),
        out_shape=jax.ShapeDtypeStruct((B, CO, N), jnp.float32),
    )(y_raw, stats, params)
    return out

# --- scband reference (transcript-rebuilt; emitter-appended) ---
"""Pipeline reference for scband-pointnet-fpmodule-63144609186371 (READ-ONLY COPY).

The authoritative reference and input builder live on the scoring server;
editing this copy changes nothing except your own understanding.
"""

import jax, jax.numpy as jnp
import numpy as np

B, N, M, C1, C2, CO = 4, 8192, 2048, 128, 256, 128

def setup_inputs(seed: int = 0) -> dict:
    key = jax.random.key(seed)
    ks = jax.random.split(key, 8)
    unknown = jax.random.uniform(ks[0], (B, N, 3), dtype=jnp.float32)
    known = jax.random.uniform(ks[1], (B, M, 3), dtype=jnp.float32)
    unknow_feats = jax.random.normal(ks[2], (B, C1, N), dtype=jnp.float32)
    known_feats = jax.random.normal(ks[3], (B, C2, M), dtype=jnp.float32)
    # SharedMLP([384,128], bn=True): Conv2d 1x1 no bias (kaiming init), BN gamma=1 beta=0
    fan_in = C1 + C2
    W0 = jax.random.normal(ks[4], (CO, fan_in), dtype=jnp.float32) * jnp.sqrt(2.0 / fan_in)
    gamma0 = jnp.ones((CO,), dtype=jnp.float32)
    beta0 = jnp.zeros((CO,), dtype=jnp.float32)
    return {"unknown": unknown, "known": known, "unknow_feats": unknow_feats,
            "known_feats": known_feats, "W0": W0, "gamma0": gamma0, "beta0": beta0}

def _square_distance(src, dst):
    d = -2.0 * jnp.matmul(src, jnp.transpose(dst, (0, 2, 1)))
    d = d + jnp.sum(src ** 2, -1)[:, :, None]
    d = d + jnp.sum(dst ** 2, -1)[:, None, :]
    return d

def reference(unknown, known, unknow_feats, known_feats, W0, gamma0, beta0):
    known_f = jnp.transpose(known_feats, (0, 2, 1))  # (B, M, C2)
    dists = _square_distance(unknown, known)         # (B, N, M)
    idx = jnp.argsort(dists, axis=-1)[:, :, :3]      # (B, N, 3)
    d3 = jnp.take_along_axis(dists, idx, axis=-1)    # (B, N, 3)
    weight = 1.0 / (d3 + 1e-08)
    weight = weight / jnp.sum(weight, axis=-1, keepdims=True)
    gathered = jax.vmap(lambda pts, ii: pts[ii])(known_f, idx)  # (B, N, 3, C2)
    interpolated = jnp.sum(gathered * weight[..., None], axis=2)  # (B, N, C2)
    new_feats = jnp.concatenate([jnp.transpose(unknow_feats, (0, 2, 1)), interpolated], axis=-1)  # (B, N, C1+C2)
    x = jnp.transpose(new_feats, (0, 2, 1))          # (B, C1+C2, N)
    y = jnp.einsum('oc,bcn->bon', W0, x)             # conv2d 1x1, no bias
    mean = jnp.mean(y, axis=(0, 2), keepdims=True)   # BatchNorm2d (training-mode batch stats)
    var = jnp.var(y, axis=(0, 2), keepdims=True)
    y = (y - mean) / jnp.sqrt(var + 1e-05)
    y = y * gamma0[None, :, None] + beta0[None, :, None]
    y = jax.nn.relu(y)
    return y  # (B, 128, N)

if __name__ == "__main__":
    import jax
    _d = setup_inputs()
    print(jax.jit(kernel)(*tuple(_d.values())))

</pallas_src>

<mosaic_0001>
#map = affine_map<(d0, d1) -> (0)>
#map1 = affine_map<(d0, d1) -> (0, 0)>
module attributes {stable_mosaic.version = 14 : i64} {
  func.func @_sc_gather_body(%arg0: i32, %arg1: i32, %arg2: memref<98304xi32, #tpu.memory_space<hbm>>, %arg3: memref<98304x16xf32, #tpu.memory_space<hbm>>, %arg4: memref<8192x256xf32, #tpu.memory_space<hbm>>, %arg5: memref<32768x256xf32, #tpu.memory_space<hbm>>, %arg6: memref<3072xi32, #tpu.memory_space<vmem>>, %arg7: memref<96x16xf32, #tpu.memory_space<vmem>>, %arg8: memref<96x16xf32, #tpu.memory_space<vmem>>, %arg9: memref<96x256xf32, #tpu.memory_space<vmem>>, %arg10: memref<96x256xf32, #tpu.memory_space<vmem>>, %arg11: memref<32x256xf32, #tpu.memory_space<vmem>>, %arg12: memref<!tpu.dma_semaphore, #tpu.memory_space<semaphore_mem>>, %arg13: memref<!tpu.dma_semaphore, #tpu.memory_space<semaphore_mem>>, %arg14: memref<!tpu.dma_semaphore, #tpu.memory_space<semaphore_mem>>, %arg15: memref<!tpu.dma_semaphore, #tpu.memory_space<semaphore_mem>>) attributes {dimension_semantics = [#tpu.dimension_semantics<core_parallel>, #tpu.dimension_semantics<subcore_parallel>], iteration_bounds = array<i64: 2, 16>, scalar_prefetch = 0 : i64, scratch_operands = 10 : i64, tpu.core_type = #tpu.core_type<sc_vector_subcore>, window_params = [{transform_indices = #map}, {transform_indices = #map1}, {transform_indices = #map1}, {transform_indices = #map1}]} {
    %mul3A = arith.constant 2 : i32
    %mul3A_0 = arith.muli %arg1, %mul3A : i32
    %add3A = arith.addi %mul3A_0, %arg0 : i32
    %mul3A_1 = arith.constant 1024 : i32
    %mul3A_2 = arith.muli %add3A, %mul3A_1 : i32
    %mul3A_3 = arith.constant 3 : i32
    %mul3A_4 = arith.muli %mul3A_3, %mul3A_2 : i32
    "tpu.region"() ({
      %run_scoped3A = tpu.sem_alloc : memref<!tpu.dma_semaphore, #tpu.memory_space<semaphore_mem>>
      %dma_start3A_22 = tpu.memref_slice %arg2[%mul3A_4] : memref<98304xi32, #tpu.memory_space<hbm>> -> memref<3072xi32, #tpu.memory_space<hbm>>
      %dma_start3A_23 = tpu.memref_slice %arg2[%mul3A_4] : memref<98304xi32, #tpu.memory_space<hbm>> -> memref<3072xi32, #tpu.memory_space<hbm>>
      tpu.enqueue_dma source(%dma_start3A_23 : memref<3072xi32, #tpu.memory_space<hbm>>) target(%arg6 : memref<3072xi32, #tpu.memory_space<vmem>>) target_semaphore(%run_scoped3A : memref<!tpu.dma_semaphore, #tpu.memory_space<semaphore_mem>>)
      %dma_wait3A = tpu.memref_slice %arg2[%mul3A_4] : memref<98304xi32, #tpu.memory_space<hbm>> -> memref<3072xi32, #tpu.memory_space<hbm>>
      %dma_wait3A_24 = tpu.memref_slice %arg2[%mul3A_4] : memref<98304xi32, #tpu.memory_space<hbm>> -> memref<3072xi32, #tpu.memory_space<hbm>>
      tpu.wait_dma2 semaphore(%run_scoped3A : memref<!tpu.dma_semaphore, #tpu.memory_space<semaphore_mem>>) src(%dma_wait3A_24 : memref<3072xi32, #tpu.memory_space<hbm>>) dst(%arg6 : memref<3072xi32, #tpu.memory_space<vmem>>)
      tpu.yield
    }) : () -> ()
    %dma_start3A = arith.constant 0 : i32
    %dma_start3A_5 = tpu.memref_slice %arg6[%dma_start3A] : memref<3072xi32, #tpu.memory_space<vmem>> -> memref<96xi32, #tpu.memory_space<vmem>>
    %dma_start3A_6 = arith.constant 0 : i32
    %dma_start3A_7 = arith.constant 0 : i32
    %dma_start3A_8 = tpu.memref_slice %arg4[%dma_start3A_6, %dma_start3A_7] : memref<8192x256xf32, #tpu.memory_space<hbm>> -> memref<8192x256xf32, #tpu.memory_space<hbm>>
    tpu.enqueue_indirect_dma source(%dma_start3A_8 : memref<8192x256xf32, #tpu.memory_space<hbm>>) target(%arg9 : memref<96x256xf32, #tpu.memory_space<vmem>>) offsets(%dma_start3A_5 : memref<96xi32, #tpu.memory_space<vmem>>) semaphore(%arg12 : memref<!tpu.dma_semaphore, #tpu.memory_space<semaphore_mem>>)
    %add3A_9 = arith.constant 0 : i32
    %add3A_10 = arith.addi %mul3A_2, %add3A_9 : i32
    %mul3A_11 = arith.constant 3 : i32
    %mul3A_12 = arith.muli %mul3A_11, %add3A_10 : i32
    %dma_start3A_13 = arith.constant 0 : i32
    %dma_start3A_14 = tpu.memref_slice %arg3[%mul3A_12, %dma_start3A_13] : memref<98304x16xf32, #tpu.memory_space<hbm>> -> memref<96x16xf32, #tpu.memory_space<hbm>>
    %dma_start3A_15 = arith.constant 0 : i32
    %dma_start3A_16 = tpu.memref_slice %arg3[%mul3A_12, %dma_start3A_15] : memref<98304x16xf32, #tpu.memory_space<hbm>> -> memref<96x16xf32, #tpu.memory_space<hbm>>
    tpu.enqueue_dma source(%dma_start3A_16 : memref<96x16xf32, #tpu.memory_space<hbm>>) target(%arg7 : memref<96x16xf32, #tpu.memory_space<vmem>>) target_semaphore(%arg14 : memref<!tpu.dma_semaphore, #tpu.memory_space<semaphore_mem>>)
    %scan3A = arith.constant 0 : i32
    %scan3A_17 = arith.constant 0 : i32
    %scan3A_18 = arith.constant 16 : i32
    %scan3A_19 = arith.addi %scan3A_17, %scan3A_18 : i32
    %scan3A_20 = arith.constant 1 : i32
    scf.for %scan3A_22 = %scan3A_17 to %scan3A_19 step %scan3A_20  : i32 {
      %mul3A_23 = arith.constant 2 : i32
      %mul3A_24 = arith.muli %mul3A_23, %scan3A_22 : i32
      %lt3A = arith.constant 32 : i32
      %lt3A_25 = arith.cmpi slt, %mul3A_24, %lt3A : i32
      %convert_element_type3A = arith.extui %lt3A_25 : i1 to i32
      %cond3A = arith.constant 0 : i32
      %cond3A_26 = arith.cmpi ne, %convert_element_type3A, %cond3A : i32
      scf.if %cond3A_26 {
        %dma_wait3A = arith.constant 0 : i32
        %dma_wait3A_34 = arith.constant 0 : i32
        %dma_wait3A_35 = tpu.memref_slice %arg4[%dma_wait3A, %dma_wait3A_34] : memref<8192x256xf32, #tpu.memory_space<hbm>> -> memref<96x256xf32, #tpu.memory_space<hbm>>
        %dma_wait3A_36 = arith.constant 0 : i32
        %dma_wait3A_37 = arith.constant 0 : i32
        %dma_wait3A_38 = tpu.memref_slice %arg4[%dma_wait3A_36, %dma_wait3A_37] : memref<8192x256xf32, #tpu.memory_space<hbm>> -> memref<96x256xf32, #tpu.memory_space<hbm>>
        tpu.wait_dma2 semaphore(%arg12 : memref<!tpu.dma_semaphore, #tpu.memory_space<semaphore_mem>>) src(%dma_wait3A_38 : memref<96x256xf32, #tpu.memory_space<hbm>>) dst(%arg9 : memref<96x256xf32, #tpu.memory_space<vmem>>)
        %dma_wait3A_39 = arith.constant 0 : i32
        %dma_wait3A_40 = arith.constant 0 : i32
        %dma_wait3A_41 = tpu.memref_slice %arg3[%dma_wait3A_39, %dma_wait3A_40] : memref<98304x16xf32, #tpu.memory_space<hbm>> -> memref<96x16xf32, #tpu.memory_space<hbm>>
        %dma_wait3A_42 = arith.constant 0 : i32
        %dma_wait3A_43 = arith.constant 0 : i32
        %dma_wait3A_44 = tpu.memref_slice %arg3[%dma_wait3A_42, %dma_wait3A_43] : memref<98304x16xf32, #tpu.memory_space<hbm>> -> memref<96x16xf32, #tpu.memory_space<hbm>>
        tpu.wait_dma2 semaphore(%arg14 : memref<!tpu.dma_semaphore, #tpu.memory_space<semaphore_mem>>) src(%dma_wait3A_44 : memref<96x16xf32, #tpu.memory_space<hbm>>) dst(%arg7 : memref<96x16xf32, #tpu.memory_space<vmem>>)
        %add3A_45 = arith.constant 1 : i32
        %add3A_46 = arith.addi %mul3A_24, %add3A_45 : i32
        %lt3A_47 = arith.constant 32 : i32
        %lt3A_48 = arith.cmpi slt, %add3A_46, %lt3A_47 : i32
        %convert_element_type3A_49 = arith.extui %lt3A_48 : i1 to i32
        %cond3A_50 = arith.constant 0 : i32
        %cond3A_51 = arith.cmpi ne, %convert_element_type3A_49, %cond3A_50 : i32
        scf.if %cond3A_51 {
          %add3A_61 = arith.constant 1 : i32
          %add3A_62 = arith.addi %mul3A_24, %add3A_61 : i32
          %mul3A_63 = arith.constant 96 : i32
          %mul3A_64 = arith.muli %mul3A_63, %add3A_62 : i32
          %dma_start3A_65 = tpu.memref_slice %arg6[%mul3A_64] : memref<3072xi32, #tpu.memory_space<vmem>> -> memref<96xi32, #tpu.memory_space<vmem>>
          %dma_start3A_66 = arith.constant 0 : i32
          %dma_start3A_67 = arith.constant 0 : i32
          %dma_start3A_68 = tpu.memref_slice %arg4[%dma_start3A_66, %dma_start3A_67] : memref<8192x256xf32, #tpu.memory_space<hbm>> -> memref<8192x256xf32, #tpu.memory_space<hbm>>
          tpu.enqueue_indirect_dma source(%dma_start3A_68 : memref<8192x256xf32, #tpu.memory_space<hbm>>) target(%arg10 : memref<96x256xf32, #tpu.memory_space<vmem>>) offsets(%dma_start3A_65 : memref<96xi32, #tpu.memory_space<vmem>>) semaphore(%arg13 : memref<!tpu.dma_semaphore, #tpu.memory_space<semaphore_mem>>)
          %mul3A_69 = arith.constant 32 : i32
          %mul3A_70 = arith.muli %add3A_62, %mul3A_69 : i32
          %add3A_71 = arith.addi %mul3A_2, %mul3A_70 : i32
          %mul3A_72 = arith.constant 3 : i32
          %mul3A_73 = arith.muli %mul3A_72, %add3A_71 : i32
          %dma_start3A_74 = arith.constant 0 : i32
          %dma_start3A_75 = tpu.memref_slice %arg3[%mul3A_73, %dma_start3A_74] : memref<98304x16xf32, #tpu.memory_space<hbm>> -> memref<96x16xf32, #tpu.memory_space<hbm>>
          %dma_start3A_76 = arith.constant 0 : i32
          %dma_start3A_77 = tpu.memref_slice %arg3[%mul3A_73, %dma_start3A_76] : memref<98304x16xf32, #tpu.memory_space<hbm>> -> memref<96x16xf32, #tpu.memory_space<hbm>>
          tpu.enqueue_dma source(%dma_start3A_77 : memref<96x16xf32, #tpu.memory_space<hbm>>) target(%arg8 : memref<96x16xf32, #tpu.memory_space<vmem>>) target_semaphore(%arg15 : memref<!tpu.dma_semaphore, #tpu.memory_space<semaphore_mem>>)
        } else {
        }
        %scan3A_52 = arith.constant 0 : i32
        %scan3A_53 = arith.constant 0 : i32
        %scan3A_54 = arith.constant 32 : i32
        %scan3A_55 = arith.addi %scan3A_53, %scan3A_54 : i32
        %scan3A_56 = arith.constant 1 : i32
        scf.for %scan3A_61 = %scan3A_53 to %scan3A_55 step %scan3A_56  : i32 {
          %mul3A_62 = arith.constant 3 : i32
          %mul3A_63 = arith.muli %mul3A_62, %scan3A_61 : i32
          %get3A = arith.index_cast %mul3A_63 : i32 to index
          %get3A_64 = arith.constant 0 : index
          %get3A_65 = tpu.vector_load %arg7[%get3A, %get3A_64] {strides = array<i32>} : memref<96x16xf32, #tpu.memory_space<vmem>>, vector<1x16xf32>,
          %get3A_66 = vector.shape_cast %get3A_65 : vector<1x16xf32> to vector<16xf32>
          %mul3A_67 = arith.constant 3 : i32
          %mul3A_68 = arith.muli %mul3A_67, %scan3A_61 : i32
          %add3A_69 = arith.constant 1 : i32
          %add3A_70 = arith.addi %mul3A_68, %add3A_69 : i32
          %get3A_71 = arith.index_cast %add3A_70 : i32 to index
          %get3A_72 = arith.constant 0 : index
          %get3A_73 = tpu.vector_load %arg7[%get3A_71, %get3A_72] {strides = array<i32>} : memref<96x16xf32, #tpu.memory_space<vmem>>, vector<1x16xf32>,
          %get3A_74 = vector.shape_cast %get3A_73 : vector<1x16xf32> to vector<16xf32>
          %mul3A_75 = arith.constant 3 : i32
          %mul3A_76 = arith.muli %mul3A_75, %scan3A_61 : i32
          %add3A_77 = arith.constant 2 : i32
          %add3A_78 = arith.addi %mul3A_76, %add3A_77 : i32
          %get3A_79 = arith.index_cast %add3A_78 : i32 to index
          %get3A_80 = arith.constant 0 : index
          %get3A_81 = tpu.vector_load %arg7[%get3A_79, %get3A_80] {strides = array<i32>} : memref<96x16xf32, #tpu.memory_space<vmem>>, vector<1x16xf32>,
          %get3A_82 = vector.shape_cast %get3A_81 : vector<1x16xf32> to vector<16xf32>
          %mul3A_83 = arith.constant 3 : i32
          %mul3A_84 = arith.muli %mul3A_83, %scan3A_61 : i32
          %get3A_85 = arith.index_cast %mul3A_84 : i32 to index
          %get3A_86 = arith.constant 0 : index
          %get3A_87 = tpu.vector_load %arg9[%get3A_85, %get3A_86] {strides = array<i32>} : memref<96x256xf32, #tpu.memory_space<vmem>>, vector<1x16xf32>,
          %get3A_88 = vector.shape_cast %get3A_87 : vector<1x16xf32> to vector<16xf32>
          %mul3A_89 = arith.mulf %get3A_66, %get3A_88 : vector<16xf32>
          %mul3A_90 = arith.constant 3 : i32
          %mul3A_91 = arith.muli %mul3A_90, %scan3A_61 : i32
          %add3A_92 = arith.constant 1 : i32
          %add3A_93 = arith.addi %mul3A_91, %add3A_92 : i32
          %get3A_94 = arith.index_cast %add3A_93 : i32 to index
          %get3A_95 = arith.constant 0 : index
          %get3A_96 = tpu.vector_load %arg9[%get3A_94, %get3A_95] {strides = array<i32>} : memref<96x256xf32, #tpu.memory_space<vmem>>, vector<1x16xf32>,
          %get3A_97 = vector.shape_cast %get3A_96 : vector<1x16xf32> to vector<16xf32>
          %mul3A_98 = arith.mulf %get3A_74, %get3A_97 : vector<16xf32>
          %add3A_99 = arith.addf %mul3A_89, %mul3A_98 : vector<16xf32>
          %mul3A_100 = arith.constant 3 : i32
          %mul3A_101 = arith.muli %mul3A_100, %scan3A_61 : i32
          %add3A_102 = arith.constant 2 : i32
          %add3A_103 = arith.addi %mul3A_101, %add3A_102 : i32
          %get3A_104 = arith.index_cast %add3A_103 : i32 to index
          %get3A_105 = arith.constant 0 : index
          %get3A_106 = tpu.vector_load %arg9[%get3A_104, %get3A_105] {strides = array<i32>} : memref<96x256xf32, #tpu.memory_space<vmem>>, vector<1x16xf32>,
          %get3A_107 = vector.shape_cast %get3A_106 : vector<1x16xf32> to vector<16xf32>
          %mul3A_108 = arith.mulf %get3A_82, %get3A_107 : vector<16xf32>
          %add3A_109 = arith.addf %add3A_99, %mul3A_108 : vector<16xf32>
          %swap3A = arith.index_cast %scan3A_61 : i32 to index
          %swap3A_110 = arith.constant 0 : index
          %swap3A_111 = tpu.vector_load %arg11[%swap3A, %swap3A_110] {strides = array<i32>} : memref<32x256xf32, #tpu.memory_space<vmem>>, vector<1x16xf32>,
          %swap3A_112 = vector.shape_cast %swap3A_111 : vector<1x16xf32> to vector<16xf32>
          %swap3A_113 = vector.shape_cast %add3A_109 : vector<16xf32> to vector<1x16xf32>
          tpu.vector_store %arg11[%swap3A, %swap3A_110], %swap3A_113 {strides = array<i32>} : memref<32x256xf32, #tpu.memory_space<vmem>>, vector<1x16xf32>,
          %mul3A_114 = arith.constant 3 : i32
          %mul3A_115 = arith.muli %mul3A_114, %scan3A_61 : i32
          %get3A_116 = arith.index_cast %mul3A_115 : i32 to index
          %get3A_117 = arith.constant 16 : index
          %get3A_118 = tpu.vector_load %arg9[%get3A_116, %get3A_117] {strides = array<i32>} : memref<96x256xf32, #tpu.memory_space<vmem>>, vector<1x16xf32>,
          %get3A_119 = vector.shape_cast %get3A_118 : vector<1x16xf32> to vector<16xf32>
          %mul3A_120 = arith.mulf %get3A_66, %get3A_119 : vector<16xf32>
          %mul3A_121 = arith.constant 3 : i32
          %mul3A_122 = arith.muli %mul3A_121, %scan3A_61 : i32
          %add3A_123 = arith.constant 1 : i32
          %add3A_124 = arith.addi %mul3A_122, %add3A_123 : i32
          %get3A_125 = arith.index_cast %add3A_124 : i32 to index
          %get3A_126 = arith.constant 16 : index
          %get3A_127 = tpu.vector_load %arg9[%get3A_125, %get3A_126] {strides = array<i32>} : memref<96x256xf32, #tpu.memory_space<vmem>>, vector<1x16xf32>,
          %get3A_128 = vector.shape_cast %get3A_127 : vector<1x16xf32> to vector<16xf32>
          %mul3A_129 = arith.mulf %get3A_74, %get3A_128 : vector<16xf32>
          %add3A_130 = arith.addf %mul3A_120, %mul3A_129 : vector<16xf32>
          %mul3A_131 = arith.constant 3 : i32
          %mul3A_132 = arith.muli %mul3A_131, %scan3A_61 : i32
          %add3A_133 = arith.constant 2 : i32
          %add3A_134 = arith.addi %mul3A_132, %add3A_133 : i32
          %get3A_135 = arith.index_cast %add3A_134 : i32 to index
          %get3A_136 = arith.constant 16 : index
          %get3A_137 = tpu.vector_load %arg9[%get3A_135, %get3A_136] {strides = array<i32>} : memref<96x256xf32, #tpu.memory_space<vmem>>, vector<1x16xf32>,
          %get3A_138 = vector.shape_cast %get3A_137 : vector<1x16xf32> to vector<16xf32>
          %mul3A_139 = arith.mulf %get3A_82, %get3A_138 : vector<16xf32>
          %add3A_140 = arith.addf %add3A_130, %mul3A_139 : vector<16xf32>
          %swap3A_141 = arith.index_cast %scan3A_61 : i32 to index
          %swap3A_142 = arith.constant 16 : index
          %swap3A_143 = tpu.vector_load %arg11[%swap3A_141, %swap3A_142] {strides = array<i32>} : memref<32x256xf32, #tpu.memory_space<vmem>>, vector<1x16xf32>,
          %swap3A_144 = vector.shape_cast %swap3A_143 : vector<1x16xf32> to vector<16xf32>
          %swap3A_145 = vector.shape_cast %add3A_140 : vector<16xf32> to vector<1x16xf32>
          tpu.vector_store %arg11[%swap3A_141, %swap3A_142], %swap3A_145 {strides = array<i32>} : memref<32x256xf32, #tpu.memory_space<vmem>>, vector<1x16xf32>,
          %mul3A_146 = arith.constant 3 : i32
          %mul3A_147 = arith.muli %mul3A_146, %scan3A_61 : i32
          %get3A_148 = arith.index_cast %mul3A_147 : i32 to index
          %get3A_149 = arith.constant 32 : index
          %get3A_150 = tpu.vector_load %arg9[%get3A_148, %get3A_149] {strides = array<i32>} : memref<96x256xf32, #tpu.memory_space<vmem>>, vector<1x16xf32>,
          %get3A_151 = vector.shape_cast %get3A_150 : vector<1x16xf32> to vector<16xf32>
          %mul3A_152 = arith.mulf %get3A_66, %get3A_151 : vector<16xf32>
          %mul3A_153 = arith.constant 3 : i32
          %mul3A_154 = arith.muli %mul3A_153, %scan3A_61 : i32
          %add3A_155 = arith.constant 1 : i32
          %add3A_156 = arith.addi %mul3A_154, %add3A_155 : i32
          %get3A_157 = arith.index_cast %add3A_156 : i32 to index
          %get3A_158 = arith.constant 32 : index
          %get3A_159 = tpu.vector_load %arg9[%get3A_157, %get3A_158] {strides = array<i32>} : memref<96x256xf32, #tpu.memory_space<vmem>>, vector<1x16xf32>,
          %get3A_160 = vector.shape_cast %get3A_159 : vector<1x16xf32> to vector<16xf32>
          %mul3A_161 = arith.mulf %get3A_74, %get3A_160 : vector<16xf32>
          %add3A_162 = arith.addf %mul3A_152, %mul3A_161 : vector<16xf32>
          %mul3A_163 = arith.constant 3 : i32
          %mul3A_164 = arith.muli %mul3A_163, %scan3A_61 : i32
          %add3A_165 = arith.constant 2 : i32
          %add3A_166 = arith.addi %mul3A_164, %add3A_165 : i32
          %get3A_167 = arith.index_cast %add3A_166 : i32 to index
          %get3A_168 = arith.constant 32 : index
          %get3A_169 = tpu.vector_load %arg9[%get3A_167, %get3A_168] {strides = array<i32>} : memref<96x256xf32, #tpu.memory_space<vmem>>, vector<1x16xf32>,
          %get3A_170 = vector.shape_cast %get3A_169 : vector<1x16xf32> to vector<16xf32>
          %mul3A_171 = arith.mulf %get3A_82, %get3A_170 : vector<16xf32>
          %add3A_172 = arith.addf %add3A_162, %mul3A_171 : vector<16xf32>
          %swap3A_173 = arith.index_cast %scan3A_61 : i32 to index
          %swap3A_174 = arith.constant 32 : index
          %swap3A_175 = tpu.vector_load %arg11[%swap3A_173, %swap3A_174] {strides = array<i32>} : memref<32x256xf32, #tpu.memory_space<vmem>>, vector<1x16xf32>,
          %swap3A_176 = vector.shape_cast %swap3A_175 : vector<1x16xf32> to vector<16xf32>
          %swap3A_177 = vector.shape_cast %add3A_172 : vector<16xf32> to vector<1x16xf32>
          tpu.vector_store %arg11[%swap3A_173, %swap3A_174], %swap3A_177 {strides = array<i32>} : memref<32x256xf32, #tpu.memory_space<vmem>>, vector<1x16xf32>,
          %mul3A_178 = arith.constant 3 : i32
          %mul3A_179 = arith.muli %mul3A_178, %scan3A_61 : i32
          %get3A_180 = arith.index_cast %mul3A_179 : i32 to index
          %get3A_181 = arith.constant 48 : index
          %get3A_182 = tpu.vector_load %arg9[%get3A_180, %get3A_181] {strides = array<i32>} : memref<96x256xf32, #tpu.memory_space<vmem>>, vector<1x16xf32>,
          %get3A_183 = vector.shape_cast %get3A_182 : vector<1x16xf32> to vector<16xf32>
          %mul3A_184 = arith.mulf %get3A_66, %get3A_183 : vector<16xf32>
          %mul3A_185 = arith.constant 3 : i32
          %mul3A_186 = arith.muli %mul3A_185, %scan3A_61 : i32
          %add3A_187 = arith.constant 1 : i32
          %add3A_188 = arith.addi %mul3A_186, %add3A_187 : i32
          %get3A_189 = arith.index_cast %add3A_188 : i32 to index
          %get3A_190 = arith.constant 48 : index
          %get3A_191 = tpu.vector_load %arg9[%get3A_189, %get3A_190] {strides = array<i32>} : memref<96x256xf32, #tpu.memory_space<vmem>>, vector<1x16xf32>,
          %get3A_192 = vector.shape_cast %get3A_191 : vector<1x16xf32> to vector<16xf32>
          %mul3A_193 = arith.mulf %get3A_74, %get3A_192 : vector<16xf32>
          %add3A_194 = arith.addf %mul3A_184, %mul3A_193 : vector<16xf32>
          %mul3A_195 = arith.constant 3 : i32
          %mul3A_196 = arith.muli %mul3A_195, %scan3A_61 : i32
          %add3A_197 = arith.constant 2 : i32
          %add3A_198 = arith.addi %mul3A_196, %add3A_197 : i32
          %get3A_199 = arith.index_cast %add3A_198 : i32 to index
          %get3A_200 = arith.constant 48 : index
          %get3A_201 = tpu.vector_load %arg9[%get3A_199, %get3A_200] {strides = array<i32>} : memref<96x256xf32, #tpu.memory_space<vmem>>, vector<1x16xf32>,
          %get3A_202 = vector.shape_cast %get3A_201 : vector<1x16xf32> to vector<16xf32>
          %mul3A_203 = arith.mulf %get3A_82, %get3A_202 : vector<16xf32>
          %add3A_204 = arith.addf %add3A_194, %mul3A_203 : vector<16xf32>
          %swap3A_205 = arith.index_cast %scan3A_61 : i32 to index
          %swap3A_206 = arith.constant 48 : index
          %swap3A_207 = tpu.vector_load %arg11[%swap3A_205, %swap3A_206] {strides = array<i32>} : memref<32x256xf32, #tpu.memory_space<vmem>>, vector<1x16xf32>,
          %swap3A_208 = vector.shape_cast %swap3A_207 : vector<1x16xf32> to vector<16xf32>
          %swap3A_209 = vector.shape_cast %add3A_204 : vector<16xf32> to vector<1x16xf32>
          tpu.vector_store %arg11[%swap3A_205, %swap3A_206], %swap3A_209 {strides = array<i32>} : memref<32x256xf32, #tpu.memory_space<vmem>>, vector<1x16xf32>,
          %mul3A_210 = arith.constant 3 : i32
          %mul3A_211 = arith.muli %mul3A_210, %scan3A_61 : i32
          %get3A_212 = arith.index_cast %mul3A_211 : i32 to index
          %get3A_213 = arith.constant 64 : index
          %get3A_214 = tpu.vector_load %arg9[%get3A_212, %get3A_213] {strides = array<i32>} : memref<96x256xf32, #tpu.memory_space<vmem>>, vector<1x16xf32>,
          %get3A_215 = vector.shape_cast %get3A_214 : vector<1x16xf32> to vector<16xf32>
          %mul3A_216 = arith.mulf %get3A_66, %get3A_215 : vector<16xf32>
          %mul3A_217 = arith.constant 3 : i32
          %mul3A_218 = arith.muli %mul3A_217, %scan3A_61 : i32
          %add3A_219 = arith.constant 1 : i32
          %add3A_220 = arith.addi %mul3A_218, %add3A_219 : i32
          %get3A_221 = arith.index_cast %add3A_220 : i32 to index
          %get3A_222 = arith.constant 64 : index
          %get3A_223 = tpu.vector_load %arg9[%get3A_221, %get3A_222] {strides = array<i32>} : memref<96x256xf32, #tpu.memory_space<vmem>>, vector<1x16xf32>,
          %get3A_224 = vector.shape_cast %get3A_223 : vector<1x16xf32> to vector<16xf32>
          %mul3A_225 = arith.mulf %get3A_74, %get3A_224 : vector<16xf32>
          %add3A_226 = arith.addf %mul3A_216, %mul3A_225 : vector<16xf32>
          %mul3A_227 = arith.constant 3 : i32
          %mul3A_228 = arith.muli %mul3A_227, %scan3A_61 : i32
          %add3A_229 = arith.constant 2 : i32
          %add3A_230 = arith.addi %mul3A_228, %add3A_229 : i32
          %get3A_231 = arith.index_cast %add3A_230 : i32 to index
          %get3A_232 = arith.constant 64 : index
          %get3A_233 = tpu.vector_load %arg9[%get3A_231, %get3A_232] {strides = array<i32>} : memref<96x256xf32, #tpu.memory_space<vmem>>, vector<1x16xf32>,
          %get3A_234 = vector.shape_cast %get3A_233 : vector<1x16xf32> to vector<16xf32>
          %mul3A_235 = arith.mulf %get3A_82, %get3A_234 : vector<16xf32>
          %add3A_236 = arith.addf %add3A_226, %mul3A_235 : vector<16xf32>
          %swap3A_237 = arith.index_cast %scan3A_61 : i32 to index
          %swap3A_238 = arith.constant 64 : index
          %swap3A_239 = tpu.vector_load %arg11[%swap3A_237, %swap3A_238] {strides = array<i32>} : memref<32x256xf32, #tpu.memory_space<vmem>>, vector<1x16xf32>,
          %swap3A_240 = vector.shape_cast %swap3A_239 : vector<1x16xf32> to vector<16xf32>
          %swap3A_241 = vector.shape_cast %add3A_236 : vector<16xf32> to vector<1x16xf32>
          tpu.vector_store %arg11[%swap3A_237, %swap3A_238], %swap3A_241 {strides = array<i32>} : memref<32x256xf32, #tpu.memory_space<vmem>>, vector<1x16xf32>,
          %mul3A_242 = arith.constant 3 : i32
          %mul3A_243 = arith.muli %mul3A_242, %scan3A_61 : i32
          %get3A_244 = arith.index_cast %mul3A_243 : i32 to index
          %get3A_245 = arith.constant 80 : index
          %get3A_246 = tpu.vector_load %arg9[%get3A_244, %get3A_245] {strides = array<i32>} : memref<96x256xf32, #tpu.memory_space<vmem>>, vector<1x16xf32>,
          %get3A_247 = vector.shape_cast %get3A_246 : vector<1x16xf32> to vector<16xf32>
          %mul3A_248 = arith.mulf %get3A_66, %get3A_247 : vector<16xf32>
          %mul3A_249 = arith.constant 3 : i32
          %mul3A_250 = arith.muli %mul3A_249, %scan3A_61 : i32
          %add3A_251 = arith.constant 1 : i32
          %add3A_252 = arith.addi %mul3A_250, %add3A_251 : i32
          %get3A_253 = arith.index_cast %add3A_252 : i32 to index
          %get3A_254 = arith.constant 80 : index
          %get3A_255 = tpu.vector_load %arg9[%get3A_253, %get3A_254] {strides = array<i32>} : memref<96x256xf32, #tpu.memory_space<vmem>>, vector<1x16xf32>,
          %get3A_256 = vector.shape_cast %get3A_255 : vector<1x16xf32> to vector<16xf32>
          %mul3A_257 = arith.mulf %get3A_74, %get3A_256 : vector<16xf32>
          %add3A_258 = arith.addf %mul3A_248, %mul3A_257 : vector<16xf32>
          %mul3A_259 = arith.constant 3 : i32
          %mul3A_260 = arith.muli %mul3A_259, %scan3A_61 : i32
          %add3A_261 = arith.constant 2 : i32
          %add3A_262 = arith.addi %mul3A_260, %add3A_261 : i32
          %get3A_263 = arith.index_cast %add3A_262 : i32 to index
          %get3A_264 = arith.constant 80 : index
          %get3A_265 = tpu.vector_load %arg9[%get3A_263, %get3A_264] {strides = array<i32>} : memref<96x256xf32, #tpu.memory_space<vmem>>, vector<1x16xf32>,
          %get3A_266 = vector.shape_cast %get3A_265 : vector<1x16xf32> to vector<16xf32>
          %mul3A_267 = arith.mulf %get3A_82, %get3A_266 : vector<16xf32>
          %add3A_268 = arith.addf %add3A_258, %mul3A_267 : vector<16xf32>
          %swap3A_269 = arith.index_cast %scan3A_61 : i32 to index
          %swap3A_270 = arith.constant 80 : index
          %swap3A_271 = tpu.vector_load %arg11[%swap3A_269, %swap3A_270] {strides = array<i32>} : memref<32x256xf32, #tpu.memory_space<vmem>>, vector<1x16xf32>,
          %swap3A_272 = vector.shape_cast %swap3A_271 : vector<1x16xf32> to vector<16xf32>
          %swap3A_273 = vector.shape_cast %add3A_268 : vector<16xf32> to vector<1x16xf32>
          tpu.vector_store %arg11[%swap3A_269, %swap3A_270], %swap3A_273 {strides = array<i32>} : memref<32x256xf32, #tpu.memory_space<vmem>>, vector<1x16xf32>,
          %mul3A_274 = arith.constant 3 : i32
          %mul3A_275 = arith.muli %mul3A_274, %scan3A_61 : i32
          %get3A_276 = arith.index_cast %mul3A_275 : i32 to index
          %get3A_277 = arith.constant 96 : index
          %get3A_278 = tpu.vector_load %arg9[%get3A_276, %get3A_277] {strides = array<i32>} : memref<96x256xf32, #tpu.memory_space<vmem>>, vector<1x16xf32>,
          %get3A_279 = vector.shape_cast %get3A_278 : vector<1x16xf32> to vector<16xf32>
          %mul3A_280 = arith.mulf %get3A_66, %get3A_279 : vector<16xf32>
          %mul3A_281 = arith.constant 3 : i32
          %mul3A_282 = arith.muli %mul3A_281, %scan3A_61 : i32
          %add3A_283 = arith.constant 1 : i32
          %add3A_284 = arith.addi %mul3A_282, %add3A_283 : i32
          %get3A_285 = arith.index_cast %add3A_284 : i32 to index
          %get3A_286 = arith.constant 96 : index
          %get3A_287 = tpu.vector_load %arg9[%get3A_285, %get3A_286] {strides = array<i32>} : memref<96x256xf32, #tpu.memory_space<vmem>>, vector<1x16xf32>,
          %get3A_288 = vector.shape_cast %get3A_287 : vector<1x16xf32> to vector<16xf32>
          %mul3A_289 = arith.mulf %get3A_74, %get3A_288 : vector<16xf32>
          %add3A_290 = arith.addf %mul3A_280, %mul3A_289 : vector<16xf32>
          %mul3A_291 = arith.constant 3 : i32
          %mul3A_292 = arith.muli %mul3A_291, %scan3A_61 : i32
          %add3A_293 = arith.constant 2 : i32
          %add3A_294 = arith.addi %mul3A_292, %add3A_293 : i32
          %get3A_295 = arith.index_cast %add3A_294 : i32 to index
          %get3A_296 = arith.constant 96 : index
          %get3A_297 = tpu.vector_load %arg9[%get3A_295, %get3A_296] {strides = array<i32>} : memref<96x256xf32, #tpu.memory_space<vmem>>, vector<1x16xf32>,
          %get3A_298 = vector.shape_cast %get3A_297 : vector<1x16xf32> to vector<16xf32>
          %mul3A_299 = arith.mulf %get3A_82, %get3A_298 : vector<16xf32>
          %add3A_300 = arith.addf %add3A_290, %mul3A_299 : vector<16xf32>
          %swap3A_301 = arith.index_cast %scan3A_61 : i32 to index
          %swap3A_302 = arith.constant 96 : index
          %swap3A_303 = tpu.vector_load %arg11[%swap3A_301, %swap3A_302] {strides = array<i32>} : memref<32x256xf32, #tpu.memory_space<vmem>>, vector<1x16xf32>,
          %swap3A_304 = vector.shape_cast %swap3A_303 : vector<1x16xf32> to vector<16xf32>
          %swap3A_305 = vector.shape_cast %add3A_300 : vector<16xf32> to vector<1x16xf32>
          tpu.vector_store %arg11[%swap3A_301, %swap3A_302], %swap3A_305 {strides = array<i32>} : memref<32x256xf32, #tpu.memory_space<vmem>>, vector<1x16xf32>,
          %mul3A_306 = arith.constant 3 : i32
          %mul3A_307 = arith.muli %mul3A_306, %scan3A_61 : i32
          %get3A_308 = arith.index_cast %mul3A_307 : i32 to index
          %get3A_309 = arith.constant 112 : index
          %get3A_310 = tpu.vector_load %arg9[%get3A_308, %get3A_309] {strides = array<i32>} : memref<96x256xf32, #tpu.memory_space<vmem>>, vector<1x16xf32>,
          %get3A_311 = vector.shape_cast %get3A_310 : vector<1x16xf32> to vector<16xf32>
          %mul3A_312 = arith.mulf %get3A_66, %get3A_311 : vector<16xf32>
          %mul3A_313 = arith.constant 3 : i32
          %mul3A_314 = arith.muli %mul3A_313, %scan3A_61 : i32
          %add3A_315 = arith.constant 1 : i32
          %add3A_316 = arith.addi %mul3A_314, %add3A_315 : i32
          %get3A_317 = arith.index_cast %add3A_316 : i32 to index
          %get3A_318 = arith.constant 112 : index
          %get3A_319 = tpu.vector_load %arg9[%get3A_317, %get3A_318] {strides = array<i32>} : memref<96x256xf32, #tpu.memory_space<vmem>>, vector<1x16xf32>,
          %get3A_320 = vector.shape_cast %get3A_319 : vector<1x16xf32> to vector<16xf32>
          %mul3A_321 = arith.mulf %get3A_74, %get3A_320 : vector<16xf32>
          %add3A_322 = arith.addf %mul3A_312, %mul3A_321 : vector<16xf32>
          %mul3A_323 = arith.constant 3 : i32
          %mul3A_324 = arith.muli %mul3A_323, %scan3A_61 : i32
          %add3A_325 = arith.constant 2 : i32
          %add3A_326 = arith.addi %mul3A_324, %add3A_325 : i32
          %get3A_327 = arith.index_cast %add3A_326 : i32 to index
          %get3A_328 = arith.constant 112 : index
          %get3A_329 = tpu.vector_load %arg9[%get3A_327, %get3A_328] {strides = array<i32>} : memref<96x256xf32, #tpu.memory_space<vmem>>, vector<1x16xf32>,
          %get3A_330 = vector.shape_cast %get3A_329 : vector<1x16xf32> to vector<16xf32>
          %mul3A_331 = arith.mulf %get3A_82, %get3A_330 : vector<16xf32>
          %add3A_332 = arith.addf %add3A_322, %mul3A_331 : vector<16xf32>
          %swap3A_333 = arith.index_cast %scan3A_61 : i32 to index
          %swap3A_334 = arith.constant 112 : index
          %swap3A_335 = tpu.vector_load %arg11[%swap3A_333, %swap3A_334] {strides = array<i32>} : memref<32x256xf32, #tpu.memory_space<vmem>>, vector<1x16xf32>,
          %swap3A_336 = vector.shape_cast %swap3A_335 : vector<1x16xf32> to vector<16xf32>
          %swap3A_337 = vector.shape_cast %add3A_332 : vector<16xf32> to vector<1x16xf32>
          tpu.vector_store %arg11[%swap3A_333, %swap3A_334], %swap3A_337 {strides = array<i32>} : memref<32x256xf32, #tpu.memory_space<vmem>>, vector<1x16xf32>,
          %mul3A_338 = arith.constant 3 : i32
          %mul3A_339 = arith.muli %mul3A_338, %scan3A_61 : i32
          %get3A_340 = arith.index_cast %mul3A_339 : i32 to index
          %get3A_341 = arith.constant 128 : index
          %get3A_342 = tpu.vector_load %arg9[%get3A_340, %get3A_341] {strides = array<i32>} : memref<96x256xf32, #tpu.memory_space<vmem>>, vector<1x16xf32>,
          %get3A_343 = vector.shape_cast %get3A_342 : vector<1x16xf32> to vector<16xf32>
          %mul3A_344 = arith.mulf %get3A_66, %get3A_343 : vector<16xf32>
          %mul3A_345 = arith.constant 3 : i32
          %mul3A_346 = arith.muli %mul3A_345, %scan3A_61 : i32
          %add3A_347 = arith.constant 1 : i32
          %add3A_348 = arith.addi %mul3A_346, %add3A_347 : i32
          %get3A_349 = arith.index_cast %add3A_348 : i32 to index
          %get3A_350 = arith.constant 128 : index
          %get3A_351 = tpu.vector_load %arg9[%get3A_349, %get3A_350] {strides = array<i32>} : memref<96x256xf32, #tpu.memory_space<vmem>>, vector<1x16xf32>,
          %get3A_352 = vector.shape_cast %get3A_351 : vector<1x16xf32> to vector<16xf32>
          %mul3A_353 = arith.mulf %get3A_74, %get3A_352 : vector<16xf32>
          %add3A_354 = arith.addf %mul3A_344, %mul3A_353 : vector<16xf32>
          %mul3A_355 = arith.constant 3 : i32
          %mul3A_356 = arith.muli %mul3A_355, %scan3A_61 : i32
          %add3A_357 = arith.constant 2 : i32
          %add3A_358 = arith.addi %mul3A_356, %add3A_357 : i32
          %get3A_359 = arith.index_cast %add3A_358 : i32 to index
          %get3A_360 = arith.constant 128 : index
          %get3A_361 = tpu.vector_load %arg9[%get3A_359, %get3A_360] {strides = array<i32>} : memref<96x256xf32, #tpu.memory_space<vmem>>, vector<1x16xf32>,
          %get3A_362 = vector.shape_cast %get3A_361 : vector<1x16xf32> to vector<16xf32>
          %mul3A_363 = arith.mulf %get3A_82, %get3A_362 : vector<16xf32>
          %add3A_364 = arith.addf %add3A_354, %mul3A_363 : vector<16xf32>
          %swap3A_365 = arith.index_cast %scan3A_61 : i32 to index
          %swap3A_366 = arith.constant 128 : index
          %swap3A_367 = tpu.vector_load %arg11[%swap3A_365, %swap3A_366] {strides = array<i32>} : memref<32x256xf32, #tpu.memory_space<vmem>>, vector<1x16xf32>,
          %swap3A_368 = vector.shape_cast %swap3A_367 : vector<1x16xf32> to vector<16xf32>
          %swap3A_369 = vector.shape_cast %add3A_364 : vector<16xf32> to vector<1x16xf32>
          tpu.vector_store %arg11[%swap3A_365, %swap3A_366], %swap3A_369 {strides = array<i32>} : memref<32x256xf32, #tpu.memory_space<vmem>>, vector<1x16xf32>,
          %mul3A_370 = arith.constant 3 : i32
          %mul3A_371 = arith.muli %mul3A_370, %scan3A_61 : i32
          %get3A_372 = arith.index_cast %mul3A_371 : i32 to index
          %get3A_373 = arith.constant 144 : index
          %get3A_374 = tpu.vector_load %arg9[%get3A_372, %get3A_373] {strides = array<i32>} : memref<96x256xf32, #tpu.memory_space<vmem>>, vector<1x16xf32>,
          %get3A_375 = vector.shape_cast %get3A_374 : vector<1x16xf32> to vector<16xf32>
          %mul3A_376 = arith.mulf %get3A_66, %get3A_375 : vector<16xf32>
          %mul3A_377 = arith.constant 3 : i32
          %mul3A_378 = arith.muli %mul3A_377, %scan3A_61 : i32
          %add3A_379 = arith.constant 1 : i32
          %add3A_380 = arith.addi %mul3A_378, %add3A_379 : i32
          %get3A_381 = arith.index_cast %add3A_380 : i32 to index
          %get3A_382 = arith.constant 144 : index
          %get3A_383 = tpu.vector_load %arg9[%get3A_381, %get3A_382] {strides = array<i32>} : memref<96x256xf32, #tpu.memory_space<vmem>>, vector<1x16xf32>,
          %get3A_384 = vector.shape_cast %get3A_383 : vector<1x16xf32> to vector<16xf32>
          %mul3A_385 = arith.mulf %get3A_74, %get3A_384 : vector<16xf32>
          %add3A_386 = arith.addf %mul3A_376, %mul3A_385 : vector<16xf32>
          %mul3A_387 = arith.constant 3 : i32
          %mul3A_388 = arith.muli %mul3A_387, %scan3A_61 : i32
          %add3A_389 = arith.constant 2 : i32
          %add3A_390 = arith.addi %mul3A_388, %add3A_389 : i32
          %get3A_391 = arith.index_cast %add3A_390 : i32 to index
          %get3A_392 = arith.constant 144 : index
          %get3A_393 = tpu.vector_load %arg9[%get3A_391, %get3A_392] {strides = array<i32>} : memref<96x256xf32, #tpu.memory_space<vmem>>, vector<1x16xf32>,
          %get3A_394 = vector.shape_cast %get3A_393 : vector<1x16xf32> to vector<16xf32>
          %mul3A_395 = arith.mulf %get3A_82, %get3A_394 : vector<16xf32>
          %add3A_396 = arith.addf %add3A_386, %mul3A_395 : vector<16xf32>
          %swap3A_397 = arith.index_cast %scan3A_61 : i32 to index
          %swap3A_398 = arith.constant 144 : index
          %swap3A_399 = tpu.vector_load %arg11[%swap3A_397, %swap3A_398] {strides = array<i32>} : memref<32x256xf32, #tpu.memory_space<vmem>>, vector<1x16xf32>,
          %swap3A_400 = vector.shape_cast %swap3A_399 : vector<1x16xf32> to vector<16xf32>
          %swap3A_401 = vector.shape_cast %add3A_396 : vector<16xf32> to vector<1x16xf32>
          tpu.vector_store %arg11[%swap3A_397, %swap3A_398], %swap3A_401 {strides = array<i32>} : memref<32x256xf32, #tpu.memory_space<vmem>>, vector<1x16xf32>,
          %mul3A_402 = arith.constant 3 : i32
          %mul3A_403 = arith.muli %mul3A_402, %scan3A_61 : i32
          %get3A_404 = arith.index_cast %mul3A_403 : i32 to index
          %get3A_405 = arith.constant 160 : index
          %get3A_406 = tpu.vector_load %arg9[%get3A_404, %get3A_405] {strides = array<i32>} : memref<96x256xf32, #tpu.memory_space<vmem>>, vector<1x16xf32>,
          %get3A_407 = vector.shape_cast %get3A_406 : vector<1x16xf32> to vector<16xf32>
          %mul3A_408 = arith.mulf %get3A_66, %get3A_407 : vector<16xf32>
          %mul3A_409 = arith.constant 3 : i32
          %mul3A_410 = arith.muli %mul3A_409, %scan3A_61 : i32
          %add3A_411 = arith.constant 1 : i32
          %add3A_412 = arith.addi %mul3A_410, %add3A_411 : i32
          %get3A_413 = arith.index_cast %add3A_412 : i32 to index
          %get3A_414 = arith.constant 160 : index
          %get3A_415 = tpu.vector_load %arg9[%get3A_413, %get3A_414] {strides = array<i32>} : memref<96x256xf32, #tpu.memory_space<vmem>>, vector<1x16xf32>,
          %get3A_416 = vector.shape_cast %get3A_415 : vector<1x16xf32> to vector<16xf32>
          %mul3A_417 = arith.mulf %get3A_74, %get3A_416 : vector<16xf32>
          %add3A_418 = arith.addf %mul3A_408, %mul3A_417 : vector<16xf32>
          %mul3A_419 = arith.constant 3 : i32
          %mul3A_420 = arith.muli %mul3A_419, %scan3A_61 : i32
          %add3A_421 = arith.constant 2 : i32
          %add3A_422 = arith.addi %mul3A_420, %add3A_421 : i32
          %get3A_423 = arith.index_cast %add3A_422 : i32 to index
          %get3A_424 = arith.constant 160 : index
          %get3A_425 = tpu.vector_load %arg9[%get3A_423, %get3A_424] {strides = array<i32>} : memref<96x256xf32, #tpu.memory_space<vmem>>, vector<1x16xf32>,
          %get3A_426 = vector.shape_cast %get3A_425 : vector<1x16xf32> to vector<16xf32>
          %mul3A_427 = arith.mulf %get3A_82, %get3A_426 : vector<16xf32>
          %add3A_428 = arith.addf %add3A_418, %mul3A_427 : vector<16xf32>
          %swap3A_429 = arith.index_cast %scan3A_61 : i32 to index
          %swap3A_430 = arith.constant 160 : index
          %swap3A_431 = tpu.vector_load %arg11[%swap3A_429, %swap3A_430] {strides = array<i32>} : memref<32x256xf32, #tpu.memory_space<vmem>>, vector<1x16xf32>,
          %swap3A_432 = vector.shape_cast %swap3A_431 : vector<1x16xf32> to vector<16xf32>
          %swap3A_433 = vector.shape_cast %add3A_428 : vector<16xf32> to vector<1x16xf32>
          tpu.vector_store %arg11[%swap3A_429, %swap3A_430], %swap3A_433 {strides = array<i32>} : memref<32x256xf32, #tpu.memory_space<vmem>>, vector<1x16xf32>,
          %mul3A_434 = arith.constant 3 : i32
          %mul3A_435 = arith.muli %mul3A_434, %scan3A_61 : i32
          %get3A_436 = arith.index_cast %mul3A_435 : i32 to index
          %get3A_437 = arith.constant 176 : index
          %get3A_438 = tpu.vector_load %arg9[%get3A_436, %get3A_437] {strides = array<i32>} : memref<96x256xf32, #tpu.memory_space<vmem>>, vector<1x16xf32>,
          %get3A_439 = vector.shape_cast %get3A_438 : vector<1x16xf32> to vector<16xf32>
          %mul3A_440 = arith.mulf %get3A_66, %get3A_439 : vector<16xf32>
          %mul3A_441 = arith.constant 3 : i32
          %mul3A_442 = arith.muli %mul3A_441, %scan3A_61 : i32
          %add3A_443 = arith.constant 1 : i32
          %add3A_444 = arith.addi %mul3A_442, %add3A_443 : i32
          %get3A_445 = arith.index_cast %add3A_444 : i32 to index
          %get3A_446 = arith.constant 176 : index
          %get3A_447 = tpu.vector_load %arg9[%get3A_445, %get3A_446] {strides = array<i32>} : memref<96x256xf32, #tpu.memory_space<vmem>>, vector<1x16xf32>,
          %get3A_448 = vector.shape_cast %get3A_447 : vector<1x16xf32> to vector<16xf32>
          %mul3A_449 = arith.mulf %get3A_74, %get3A_448 : vector<16xf32>
          %add3A_450 = arith.addf %mul3A_440, %mul3A_449 : vector<16xf32>
          %mul3A_451 = arith.constant 3 : i32
          %mul3A_452 = arith.muli %mul3A_451, %scan3A_61 : i32
          %add3A_453 = arith.constant 2 : i32
          %add3A_454 = arith.addi %mul3A_452, %add3A_453 : i32
          %get3A_455 = arith.index_cast %add3A_454 : i32 to index
          %get3A_456 = arith.constant 176 : index
          %get3A_457 = tpu.vector_load %arg9[%get3A_455, %get3A_456] {strides = array<i32>} : memref<96x256xf32, #tpu.memory_space<vmem>>, vector<1x16xf32>,
          %get3A_458 = vector.shape_cast %get3A_457 : vector<1x16xf32> to vector<16xf32>
          %mul3A_459 = arith.mulf %get3A_82, %get3A_458 : vector<16xf32>
          %add3A_460 = arith.addf %add3A_450, %mul3A_459 : vector<16xf32>
          %swap3A_461 = arith.index_cast %scan3A_61 : i32 to index
          %swap3A_462 = arith.constant 176 : index
          %swap3A_463 = tpu.vector_load %arg11[%swap3A_461, %swap3A_462] {strides = array<i32>} : memref<32x256xf32, #tpu.memory_space<vmem>>, vector<1x16xf32>,
          %swap3A_464 = vector.shape_cast %swap3A_463 : vector<1x16xf32> to vector<16xf32>
          %swap3A_465 = vector.shape_cast %add3A_460 : vector<16xf32> to vector<1x16xf32>
          tpu.vector_store %arg11[%swap3A_461, %swap3A_462], %swap3A_465 {strides = array<i32>} : memref<32x256xf32, #tpu.memory_space<vmem>>, vector<1x16xf32>,
          %mul3A_466 = arith.constant 3 : i32
          %mul3A_467 = arith.muli %mul3A_466, %scan3A_61 : i32
          %get3A_468 = arith.index_cast %mul3A_467 : i32 to index
          %get3A_469 = arith.constant 192 : index
          %get3A_470 = tpu.vector_load %arg9[%get3A_468, %get3A_469] {strides = array<i32>} : memref<96x256xf32, #tpu.memory_space<vmem>>, vector<1x16xf32>,
          %get3A_471 = vector.shape_cast %get3A_470 : vector<1x16xf32> to vector<16xf32>
          %mul3A_472 = arith.mulf %get3A_66, %get3A_471 : vector<16xf32>
          %mul3A_473 = arith.constant 3 : i32
          %mul3A_474 = arith.muli %mul3A_473, %scan3A_61 : i32
          %add3A_475 = arith.constant 1 : i32
          %add3A_476 = arith.addi %mul3A_474, %add3A_475 : i32
          %get3A_477 = arith.index_cast %add3A_476 : i32 to index
          %get3A_478 = arith.constant 192 : index
          %get3A_479 = tpu.vector_load %arg9[%get3A_477, %get3A_478] {strides = array<i32>} : memref<96x256xf32, #tpu.memory_space<vmem>>, vector<1x16xf32>,
          %get3A_480 = vector.shape_cast %get3A_479 : vector<1x16xf32> to vector<16xf32>
          %mul3A_481 = arith.mulf %get3A_74, %get3A_480 : vector<16xf32>
          %add3A_482 = arith.addf %mul3A_472, %mul3A_481 : vector<16xf32>
          %mul3A_483 = arith.constant 3 : i32
          %mul3A_484 = arith.muli %mul3A_483, %scan3A_61 : i32
          %add3A_485 = arith.constant 2 : i32
          %add3A_486 = arith.addi %mul3A_484, %add3A_485 : i32
          %get3A_487 = arith.index_cast %add3A_486 : i32 to index
          %get3A_488 = arith.constant 192 : index
          %get3A_489 = tpu.vector_load %arg9[%get3A_487, %get3A_488] {strides = array<i32>} : memref<96x256xf32, #tpu.memory_space<vmem>>, vector<1x16xf32>,
          %get3A_490 = vector.shape_cast %get3A_489 : vector<1x16xf32> to vector<16xf32>
          %mul3A_491 = arith.mulf %get3A_82, %get3A_490 : vector<16xf32>
          %add3A_492 = arith.addf %add3A_482, %mul3A_491 : vector<16xf32>
          %swap3A_493 = arith.index_cast %scan3A_61 : i32 to index
          %swap3A_494 = arith.constant 192 : index
          %swap3A_495 = tpu.vector_load %arg11[%swap3A_493, %swap3A_494] {strides = array<i32>} : memref<32x256xf32, #tpu.memory_space<vmem>>, vector<1x16xf32>,
          %swap3A_496 = vector.shape_cast %swap3A_495 : vector<1x16xf32> to vector<16xf32>
          %swap3A_497 = vector.shape_cast %add3A_492 : vector<16xf32> to vector<1x16xf32>
          tpu.vector_store %arg11[%swap3A_493, %swap3A_494], %swap3A_497 {strides = array<i32>} : memref<32x256xf32, #tpu.memory_space<vmem>>, vector<1x16xf32>,
          %mul3A_498 = arith.constant 3 : i32
          %mul3A_499 = arith.muli %mul3A_498, %scan3A_61 : i32
          %get3A_500 = arith.index_cast %mul3A_499 : i32 to index
          %get3A_501 = arith.constant 208 : index
          %get3A_502 = tpu.vector_load %arg9[%get3A_500, %get3A_501] {strides = array<i32>} : memref<96x256xf32, #tpu.memory_space<vmem>>, vector<1x16xf32>,
          %get3A_503 = vector.shape_cast %get3A_502 : vector<1x16xf32> to vector<16xf32>
          %mul3A_504 = arith.mulf %get3A_66, %get3A_503 : vector<16xf32>
          %mul3A_505 = arith.constant 3 : i32
          %mul3A_506 = arith.muli %mul3A_505, %scan3A_61 : i32
          %add3A_507 = arith.constant 1 : i32
          %add3A_508 = arith.addi %mul3A_506, %add3A_507 : i32
          %get3A_509 = arith.index_cast %add3A_508 : i32 to index
          %get3A_510 = arith.constant 208 : index
          %get3A_511 = tpu.vector_load %arg9[%get3A_509, %get3A_510] {strides = array<i32>} : memref<96x256xf32, #tpu.memory_space<vmem>>, vector<1x16xf32>,
          %get3A_512 = vector.shape_cast %get3A_511 : vector<1x16xf32> to vector<16xf32>
          %mul3A_513 = arith.mulf %get3A_74, %get3A_512 : vector<16xf32>
          %add3A_514 = arith.addf %mul3A_504, %mul3A_513 : vector<16xf32>
          %mul3A_515 = arith.constant 3 : i32
          %mul3A_516 = arith.muli %mul3A_515, %scan3A_61 : i32
          %add3A_517 = arith.constant 2 : i32
          %add3A_518 = arith.addi %mul3A_516, %add3A_517 : i32
          %get3A_519 = arith.index_cast %add3A_518 : i32 to index
          %get3A_520 = arith.constant 208 : index
          %get3A_521 = tpu.vector_load %arg9[%get3A_519, %get3A_520] {strides = array<i32>} : memref<96x256xf32, #tpu.memory_space<vmem>>, vector<1x16xf32>,
          %get3A_522 = vector.shape_cast %get3A_521 : vector<1x16xf32> to vector<16xf32>
          %mul3A_523 = arith.mulf %get3A_82, %get3A_522 : vector<16xf32>
          %add3A_524 = arith.addf %add3A_514, %mul3A_523 : vector<16xf32>
          %swap3A_525 = arith.index_cast %scan3A_61 : i32 to index
          %swap3A_526 = arith.constant 208 : index
          %swap3A_527 = tpu.vector_load %arg11[%swap3A_525, %swap3A_526] {strides = array<i32>} : memref<32x256xf32, #tpu.memory_space<vmem>>, vector<1x16xf32>,
          %swap3A_528 = vector.shape_cast %swap3A_527 : vector<1x16xf32> to vector<16xf32>
          %swap3A_529 = vector.shape_cast %add3A_524 : vector<16xf32> to vector<1x16xf32>
          tpu.vector_store %arg11[%swap3A_525, %swap3A_526], %swap3A_529 {strides = array<i32>} : memref<32x256xf32, #tpu.memory_space<vmem>>, vector<1x16xf32>,
          %mul3A_530 = arith.constant 3 : i32
          %mul3A_531 = arith.muli %mul3A_530, %scan3A_61 : i32
          %get3A_532 = arith.index_cast %mul3A_531 : i32 to index
          %get3A_533 = arith.constant 224 : index
          %get3A_534 = tpu.vector_load %arg9[%get3A_532, %get3A_533] {strides = array<i32>} : memref<96x256xf32, #tpu.memory_space<vmem>>, vector<1x16xf32>,
          %get3A_535 = vector.shape_cast %get3A_534 : vector<1x16xf32> to vector<16xf32>
          %mul3A_536 = arith.mulf %get3A_66, %get3A_535 : vector<16xf32>
          %mul3A_537 = arith.constant 3 : i32
          %mul3A_538 = arith.muli %mul3A_537, %scan3A_61 : i32
          %add3A_539 = arith.constant 1 : i32
          %add3A_540 = arith.addi %mul3A_538, %add3A_539 : i32
          %get3A_541 = arith.index_cast %add3A_540 : i32 to index
          %get3A_542 = arith.constant 224 : index
          %get3A_543 = tpu.vector_load %arg9[%get3A_541, %get3A_542] {strides = array<i32>} : memref<96x256xf32, #tpu.memory_space<vmem>>, vector<1x16xf32>,
          %get3A_544 = vector.shape_cast %get3A_543 : vector<1x16xf32> to vector<16xf32>
          %mul3A_545 = arith.mulf %get3A_74, %get3A_544 : vector<16xf32>
          %add3A_546 = arith.addf %mul3A_536, %mul3A_545 : vector<16xf32>
          %mul3A_547 = arith.constant 3 : i32
          %mul3A_548 = arith.muli %mul3A_547, %scan3A_61 : i32
          %add3A_549 = arith.constant 2 : i32
          %add3A_550 = arith.addi %mul3A_548, %add3A_549 : i32
          %get3A_551 = arith.index_cast %add3A_550 : i32 to index
          %get3A_552 = arith.constant 224 : index
          %get3A_553 = tpu.vector_load %arg9[%get3A_551, %get3A_552] {strides = array<i32>} : memref<96x256xf32, #tpu.memory_space<vmem>>, vector<1x16xf32>,
          %get3A_554 = vector.shape_cast %get3A_553 : vector<1x16xf32> to vector<16xf32>
          %mul3A_555 = arith.mulf %get3A_82, %get3A_554 : vector<16xf32>
          %add3A_556 = arith.addf %add3A_546, %mul3A_555 : vector<16xf32>
          %swap3A_557 = arith.index_cast %scan3A_61 : i32 to index
          %swap3A_558 = arith.constant 224 : index
          %swap3A_559 = tpu.vector_load %arg11[%swap3A_557, %swap3A_558] {strides = array<i32>} : memref<32x256xf32, #tpu.memory_space<vmem>>, vector<1x16xf32>,
          %swap3A_560 = vector.shape_cast %swap3A_559 : vector<1x16xf32> to vector<16xf32>
          %swap3A_561 = vector.shape_cast %add3A_556 : vector<16xf32> to vector<1x16xf32>
          tpu.vector_store %arg11[%swap3A_557, %swap3A_558], %swap3A_561 {strides = array<i32>} : memref<32x256xf32, #tpu.memory_space<vmem>>, vector<1x16xf32>,
          %mul3A_562 = arith.constant 3 : i32
          %mul3A_563 = arith.muli %mul3A_562, %scan3A_61 : i32
          %get3A_564 = arith.index_cast %mul3A_563 : i32 to index
          %get3A_565 = arith.constant 240 : index
          %get3A_566 = tpu.vector_load %arg9[%get3A_564, %get3A_565] {strides = array<i32>} : memref<96x256xf32, #tpu.memory_space<vmem>>, vector<1x16xf32>,
          %get3A_567 = vector.shape_cast %get3A_566 : vector<1x16xf32> to vector<16xf32>
          %mul3A_568 = arith.mulf %get3A_66, %get3A_567 : vector<16xf32>
          %mul3A_569 = arith.constant 3 : i32
          %mul3A_570 = arith.muli %mul3A_569, %scan3A_61 : i32
          %add3A_571 = arith.constant 1 : i32
          %add3A_572 = arith.addi %mul3A_570, %add3A_571 : i32
          %get3A_573 = arith.index_cast %add3A_572 : i32 to index
          %get3A_574 = arith.constant 240 : index
          %get3A_575 = tpu.vector_load %arg9[%get3A_573, %get3A_574] {strides = array<i32>} : memref<96x256xf32, #tpu.memory_space<vmem>>, vector<1x16xf32>,
          %get3A_576 = vector.shape_cast %get3A_575 : vector<1x16xf32> to vector<16xf32>
          %mul3A_577 = arith.mulf %get3A_74, %get3A_576 : vector<16xf32>
          %add3A_578 = arith.addf %mul3A_568, %mul3A_577 : vector<16xf32>
          %mul3A_579 = arith.constant 3 : i32
          %mul3A_580 = arith.muli %mul3A_579, %scan3A_61 : i32
          %add3A_581 = arith.constant 2 : i32
          %add3A_582 = arith.addi %mul3A_580, %add3A_581 : i32
          %get3A_583 = arith.index_cast %add3A_582 : i32 to index
          %get3A_584 = arith.constant 240 : index
          %get3A_585 = tpu.vector_load %arg9[%get3A_583, %get3A_584] {strides = array<i32>} : memref<96x256xf32, #tpu.memory_space<vmem>>, vector<1x16xf32>,
          %get3A_586 = vector.shape_cast %get3A_585 : vector<1x16xf32> to vector<16xf32>
          %mul3A_587 = arith.mulf %get3A_82, %get3A_586 : vector<16xf32>
          %add3A_588 = arith.addf %add3A_578, %mul3A_587 : vector<16xf32>
          %swap3A_589 = arith.index_cast %scan3A_61 : i32 to index
          %swap3A_590 = arith.constant 240 : index
          %swap3A_591 = tpu.vector_load %arg11[%swap3A_589, %swap3A_590] {strides = array<i32>} : memref<32x256xf32, #tpu.memory_space<vmem>>, vector<1x16xf32>,
          %swap3A_592 = vector.shape_cast %swap3A_591 : vector<1x16xf32> to vector<16xf32>
          %swap3A_593 = vector.shape_cast %add3A_588 : vector<16xf32> to vector<1x16xf32>
          tpu.vector_store %arg11[%swap3A_589, %swap3A_590], %swap3A_593 {strides = array<i32>} : memref<32x256xf32, #tpu.memory_space<vmem>>, vector<1x16xf32>,
        }
        %scan3A_57 = arith.constant 32 : i32
        %mul3A_58 = arith.constant 32 : i32
        %mul3A_59 = arith.muli %mul3A_24, %mul3A_58 : i32
        %add3A_60 = arith.addi %mul3A_2, %mul3A_59 : i32
        "tpu.region"() ({
          %run_scoped3A = tpu.sem_alloc : memref<!tpu.dma_semaphore, #tpu.memory_space<semaphore_mem>>
          %dma_start3A_61 = arith.constant 0 : i32
          %dma_start3A_62 = tpu.memref_slice %arg5[%add3A_60, %dma_start3A_61] : memref<32768x256xf32, #tpu.memory_space<hbm>> -> memref<32x256xf32, #tpu.memory_space<hbm>>
          %dma_start3A_63 = arith.constant 0 : i32
          %dma_start3A_64 = tpu.memref_slice %arg5[%add3A_60, %dma_start3A_63] : memref<32768x256xf32, #tpu.memory_space<hbm>> -> memref<32x256xf32, #tpu.memory_space<hbm>>
          tpu.enqueue_dma source(%arg11 : memref<32x256xf32, #tpu.memory_space<vmem>>) target(%dma_start3A_64 : memref<32x256xf32, #tpu.memory_space<hbm>>) target_semaphore(%run_scoped3A : memref<!tpu.dma_semaphore, #tpu.memory_space<semaphore_mem>>)
          %dma_wait3A_65 = arith.constant 0 : i32
          %dma_wait3A_66 = tpu.memref_slice %arg5[%add3A_60, %dma_wait3A_65] : memref<32768x256xf32, #tpu.memory_space<hbm>> -> memref<32x256xf32, #tpu.memory_space<hbm>>
          %dma_wait3A_67 = arith.constant 0 : i32
          %dma_wait3A_68 = tpu.memref_slice %arg5[%add3A_60, %dma_wait3A_67] : memref<32768x256xf32, #tpu.memory_space<hbm>> -> memref<32x256xf32, #tpu.memory_space<hbm>>
          tpu.wait_dma2 semaphore(%run_scoped3A : memref<!tpu.dma_semaphore, #tpu.memory_space<semaphore_mem>>) src(%arg11 : memref<32x256xf32, #tpu.memory_space<vmem>>) dst(%dma_wait3A_68 : memref<32x256xf32, #tpu.memory_space<hbm>>)
          tpu.yield
        }) : () -> ()
      } else {
      }
      %add3A_27 = arith.constant 1 : i32
      %add3A_28 = arith.addi %mul3A_24, %add3A_27 : i32
      %lt3A_29 = arith.constant 32 : i32
      %lt3A_30 = arith.cmpi slt, %add3A_28, %lt3A_29 : i32
      %convert_element_type3A_31 = arith.extui %lt3A_30 : i1 to i32
      %cond3A_32 = arith.constant 0 : i32
      %cond3A_33 = arith.cmpi ne, %convert_element_type3A_31, %cond3A_32 : i32
      scf.if %cond3A_33 {
        %add3A_34 = arith.constant 1 : i32
        %add3A_35 = arith.addi %mul3A_24, %add3A_34 : i32
        %dma_wait3A = arith.constant 0 : i32
        %dma_wait3A_36 = arith.constant 0 : i32
        %dma_wait3A_37 = tpu.memref_slice %arg4[%dma_wait3A, %dma_wait3A_36] : memref<8192x256xf32, #tpu.memory_space<hbm>> -> memref<96x256xf32, #tpu.memory_space<hbm>>
        %dma_wait3A_38 = arith.constant 0 : i32
        %dma_wait3A_39 = arith.constant 0 : i32
        %dma_wait3A_40 = tpu.memref_slice %arg4[%dma_wait3A_38, %dma_wait3A_39] : memref<8192x256xf32, #tpu.memory_space<hbm>> -> memref<96x256xf32, #tpu.memory_space<hbm>>
        tpu.wait_dma2 semaphore(%arg13 : memref<!tpu.dma_semaphore, #tpu.memory_space<semaphore_mem>>) src(%dma_wait3A_40 : memref<96x256xf32, #tpu.memory_space<hbm>>) dst(%arg10 : memref<96x256xf32, #tpu.memory_space<vmem>>)
        %dma_wait3A_41 = arith.constant 0 : i32
        %dma_wait3A_42 = arith.constant 0 : i32
        %dma_wait3A_43 = tpu.memref_slice %arg3[%dma_wait3A_41, %dma_wait3A_42] : memref<98304x16xf32, #tpu.memory_space<hbm>> -> memref<96x16xf32, #tpu.memory_space<hbm>>
        %dma_wait3A_44 = arith.constant 0 : i32
        %dma_wait3A_45 = arith.constant 0 : i32
        %dma_wait3A_46 = tpu.memref_slice %arg3[%dma_wait3A_44, %dma_wait3A_45] : memref<98304x16xf32, #tpu.memory_space<hbm>> -> memref<96x16xf32, #tpu.memory_space<hbm>>
        tpu.wait_dma2 semaphore(%arg15 : memref<!tpu.dma_semaphore, #tpu.memory_space<semaphore_mem>>) src(%dma_wait3A_46 : memref<96x16xf32, #tpu.memory_space<hbm>>) dst(%arg8 : memref<96x16xf32, #tpu.memory_space<vmem>>)
        %add3A_47 = arith.constant 1 : i32
        %add3A_48 = arith.addi %add3A_35, %add3A_47 : i32
        %lt3A_49 = arith.constant 32 : i32
        %lt3A_50 = arith.cmpi slt, %add3A_48, %lt3A_49 : i32
        %convert_element_type3A_51 = arith.extui %lt3A_50 : i1 to i32
        %cond3A_52 = arith.constant 0 : i32
        %cond3A_53 = arith.cmpi ne, %convert_element_type3A_51, %cond3A_52 : i32
        scf.if %cond3A_53 {
          %add3A_63 = arith.constant 1 : i32
          %add3A_64 = arith.addi %add3A_35, %add3A_63 : i32
          %mul3A_65 = arith.constant 96 : i32
          %mul3A_66 = arith.muli %mul3A_65, %add3A_64 : i32
          %dma_start3A_67 = tpu.memref_slice %arg6[%mul3A_66] : memref<3072xi32, #tpu.memory_space<vmem>> -> memref<96xi32, #tpu.memory_space<vmem>>
          %dma_start3A_68 = arith.constant 0 : i32
          %dma_start3A_69 = arith.constant 0 : i32
          %dma_start3A_70 = tpu.memref_slice %arg4[%dma_start3A_68, %dma_start3A_69] : memref<8192x256xf32, #tpu.memory_space<hbm>> -> memref<8192x256xf32, #tpu.memory_space<hbm>>
          tpu.enqueue_indirect_dma source(%dma_start3A_70 : memref<8192x256xf32, #tpu.memory_space<hbm>>) target(%arg9 : memref<96x256xf32, #tpu.memory_space<vmem>>) offsets(%dma_start3A_67 : memref<96xi32, #tpu.memory_space<vmem>>) semaphore(%arg12 : memref<!tpu.dma_semaphore, #tpu.memory_space<semaphore_mem>>)
          %mul3A_71 = arith.constant 32 : i32
          %mul3A_72 = arith.muli %add3A_64, %mul3A_71 : i32
          %add3A_73 = arith.addi %mul3A_2, %mul3A_72 : i32
          %mul3A_74 = arith.constant 3 : i32
          %mul3A_75 = arith.muli %mul3A_74, %add3A_73 : i32
          %dma_start3A_76 = arith.constant 0 : i32
          %dma_start3A_77 = tpu.memref_slice %arg3[%mul3A_75, %dma_start3A_76] : memref<98304x16xf32, #tpu.memory_space<hbm>> -> memref<96x16xf32, #tpu.memory_space<hbm>>
          %dma_start3A_78 = arith.constant 0 : i32
          %dma_start3A_79 = tpu.memref_slice %arg3[%mul3A_75, %dma_start3A_78] : memref<98304x16xf32, #tpu.memory_space<hbm>> -> memref<96x16xf32, #tpu.memory_space<hbm>>
          tpu.enqueue_dma source(%dma_start3A_79 : memref<96x16xf32, #tpu.memory_space<hbm>>) target(%arg7 : memref<96x16xf32, #tpu.memory_space<vmem>>) target_semaphore(%arg14 : memref<!tpu.dma_semaphore, #tpu.memory_space<semaphore_mem>>)
        } else {
        }
        %scan3A_54 = arith.constant 0 : i32
        %scan3A_55 = arith.constant 0 : i32
        %scan3A_56 = arith.constant 32 : i32
        %scan3A_57 = arith.addi %scan3A_55, %scan3A_56 : i32
        %scan3A_58 = arith.constant 1 : i32
        scf.for %scan3A_63 = %scan3A_55 to %scan3A_57 step %scan3A_58  : i32 {
          %mul3A_64 = arith.constant 3 : i32
          %mul3A_65 = arith.muli %mul3A_64, %scan3A_63 : i32
          %get3A = arith.index_cast %mul3A_65 : i32 to index
          %get3A_66 = arith.constant 0 : index
          %get3A_67 = tpu.vector_load %arg8[%get3A, %get3A_66] {strides = array<i32>} : memref<96x16xf32, #tpu.memory_space<vmem>>, vector<1x16xf32>,
          %get3A_68 = vector.shape_cast %get3A_67 : vector<1x16xf32> to vector<16xf32>
          %mul3A_69 = arith.constant 3 : i32
          %mul3A_70 = arith.muli %mul3A_69, %scan3A_63 : i32
          %add3A_71 = arith.constant 1 : i32
          %add3A_72 = arith.addi %mul3A_70, %add3A_71 : i32
          %get3A_73 = arith.index_cast %add3A_72 : i32 to index
          %get3A_74 = arith.constant 0 : index
          %get3A_75 = tpu.vector_load %arg8[%get3A_73, %get3A_74] {strides = array<i32>} : memref<96x16xf32, #tpu.memory_space<vmem>>, vector<1x16xf32>,
          %get3A_76 = vector.shape_cast %get3A_75 : vector<1x16xf32> to vector<16xf32>
          %mul3A_77 = arith.constant 3 : i32
          %mul3A_78 = arith.muli %mul3A_77, %scan3A_63 : i32
          %add3A_79 = arith.constant 2 : i32
          %add3A_80 = arith.addi %mul3A_78, %add3A_79 : i32
          %get3A_81 = arith.index_cast %add3A_80 : i32 to index
          %get3A_82 = arith.constant 0 : index
          %get3A_83 = tpu.vector_load %arg8[%get3A_81, %get3A_82] {strides = array<i32>} : memref<96x16xf32, #tpu.memory_space<vmem>>, vector<1x16xf32>,
          %get3A_84 = vector.shape_cast %get3A_83 : vector<1x16xf32> to vector<16xf32>
          %mul3A_85 = arith.constant 3 : i32
          %mul3A_86 = arith.muli %mul3A_85, %scan3A_63 : i32
          %get3A_87 = arith.index_cast %mul3A_86 : i32 to index
          %get3A_88 = arith.constant 0 : index
          %get3A_89 = tpu.vector_load %arg10[%get3A_87, %get3A_88] {strides = array<i32>} : memref<96x256xf32, #tpu.memory_space<vmem>>, vector<1x16xf32>,
          %get3A_90 = vector.shape_cast %get3A_89 : vector<1x16xf32> to vector<16xf32>
          %mul3A_91 = arith.mulf %get3A_68, %get3A_90 : vector<16xf32>
          %mul3A_92 = arith.constant 3 : i32
          %mul3A_93 = arith.muli %mul3A_92, %scan3A_63 : i32
          %add3A_94 = arith.constant 1 : i32
          %add3A_95 = arith.addi %mul3A_93, %add3A_94 : i32
          %get3A_96 = arith.index_cast %add3A_95 : i32 to index
          %get3A_97 = arith.constant 0 : index
          %get3A_98 = tpu.vector_load %arg10[%get3A_96, %get3A_97] {strides = array<i32>} : memref<96x256xf32, #tpu.memory_space<vmem>>, vector<1x16xf32>,
          %get3A_99 = vector.shape_cast %get3A_98 : vector<1x16xf32> to vector<16xf32>
          %mul3A_100 = arith.mulf %get3A_76, %get3A_99 : vector<16xf32>
          %add3A_101 = arith.addf %mul3A_91, %mul3A_100 : vector<16xf32>
          %mul3A_102 = arith.constant 3 : i32
          %mul3A_103 = arith.muli %mul3A_102, %scan3A_63 : i32
          %add3A_104 = arith.constant 2 : i32
          %add3A_105 = arith.addi %mul3A_103, %add3A_104 : i32
          %get3A_106 = arith.index_cast %add3A_105 : i32 to index
          %get3A_107 = arith.constant 0 : index
          %get3A_108 = tpu.vector_load %arg10[%get3A_106, %get3A_107] {strides = array<i32>} : memref<96x256xf32, #tpu.memory_space<vmem>>, vector<1x16xf32>,
          %get3A_109 = vector.shape_cast %get3A_108 : vector<1x16xf32> to vector<16xf32>
          %mul3A_110 = arith.mulf %get3A_84, %get3A_109 : vector<16xf32>
          %add3A_111 = arith.addf %add3A_101, %mul3A_110 : vector<16xf32>
          %swap3A = arith.index_cast %scan3A_63 : i32 to index
          %swap3A_112 = arith.constant 0 : index
          %swap3A_113 = tpu.vector_load %arg11[%swap3A, %swap3A_112] {strides = array<i32>} : memref<32x256xf32, #tpu.memory_space<vmem>>, vector<1x16xf32>,
          %swap3A_114 = vector.shape_cast %swap3A_113 : vector<1x16xf32> to vector<16xf32>
          %swap3A_115 = vector.shape_cast %add3A_111 : vector<16xf32> to vector<1x16xf32>
          tpu.vector_store %arg11[%swap3A, %swap3A_112], %swap3A_115 {strides = array<i32>} : memref<32x256xf32, #tpu.memory_space<vmem>>, vector<1x16xf32>,
          %mul3A_116 = arith.constant 3 : i32
          %mul3A_117 = arith.muli %mul3A_116, %scan3A_63 : i32
          %get3A_118 = arith.index_cast %mul3A_117 : i32 to index
          %get3A_119 = arith.constant 16 : index
          %get3A_120 = tpu.vector_load %arg10[%get3A_118, %get3A_119] {strides = array<i32>} : memref<96x256xf32, #tpu.memory_space<vmem>>, vector<1x16xf32>,
          %get3A_121 = vector.shape_cast %get3A_120 : vector<1x16xf32> to vector<16xf32>
          %mul3A_122 = arith.mulf %get3A_68, %get3A_121 : vector<16xf32>
          %mul3A_123 = arith.constant 3 : i32
          %mul3A_124 = arith.muli %mul3A_123, %scan3A_63 : i32
          %add3A_125 = arith.constant 1 : i32
          %add3A_126 = arith.addi %mul3A_124, %add3A_125 : i32
          %get3A_127 = arith.index_cast %add3A_126 : i32 to index
          %get3A_128 = arith.constant 16 : index
          %get3A_129 = tpu.vector_load %arg10[%get3A_127, %get3A_128] {strides = array<i32>} : memref<96x256xf32, #tpu.memory_space<vmem>>, vector<1x16xf32>,
          %get3A_130 = vector.shape_cast %get3A_129 : vector<1x16xf32> to vector<16xf32>
          %mul3A_131 = arith.mulf %get3A_76, %get3A_130 : vector<16xf32>
          %add3A_132 = arith.addf %mul3A_122, %mul3A_131 : vector<16xf32>
          %mul3A_133 = arith.constant 3 : i32
          %mul3A_134 = arith.muli %mul3A_133, %scan3A_63 : i32
          %add3A_135 = arith.constant 2 : i32
          %add3A_136 = arith.addi %mul3A_134, %add3A_135 : i32
          %get3A_137 = arith.index_cast %add3A_136 : i32 to index
          %get3A_138 = arith.constant 16 : index
          %get3A_139 = tpu.vector_load %arg10[%get3A_137, %get3A_138] {strides = array<i32>} : memref<96x256xf32, #tpu.memory_space<vmem>>, vector<1x16xf32>,
          %get3A_140 = vector.shape_cast %get3A_139 : vector<1x16xf32> to vector<16xf32>
          %mul3A_141 = arith.mulf %get3A_84, %get3A_140 : vector<16xf32>
          %add3A_142 = arith.addf %add3A_132, %mul3A_141 : vector<16xf32>
          %swap3A_143 = arith.index_cast %scan3A_63 : i32 to index
          %swap3A_144 = arith.constant 16 : index
          %swap3A_145 = tpu.vector_load %arg11[%swap3A_143, %swap3A_144] {strides = array<i32>} : memref<32x256xf32, #tpu.memory_space<vmem>>, vector<1x16xf32>,
          %swap3A_146 = vector.shape_cast %swap3A_145 : vector<1x16xf32> to vector<16xf32>
          %swap3A_147 = vector.shape_cast %add3A_142 : vector<16xf32> to vector<1x16xf32>
          tpu.vector_store %arg11[%swap3A_143, %swap3A_144], %swap3A_147 {strides = array<i32>} : memref<32x256xf32, #tpu.memory_space<vmem>>, vector<1x16xf32>,
          %mul3A_148 = arith.constant 3 : i32
          %mul3A_149 = arith.muli %mul3A_148, %scan3A_63 : i32
          %get3A_150 = arith.index_cast %mul3A_149 : i32 to index
          %get3A_151 = arith.constant 32 : index
          %get3A_152 = tpu.vector_load %arg10[%get3A_150, %get3A_151] {strides = array<i32>} : memref<96x256xf32, #tpu.memory_space<vmem>>, vector<1x16xf32>,
          %get3A_153 = vector.shape_cast %get3A_152 : vector<1x16xf32> to vector<16xf32>
          %mul3A_154 = arith.mulf %get3A_68, %get3A_153 : vector<16xf32>
          %mul3A_155 = arith.constant 3 : i32
          %mul3A_156 = arith.muli %mul3A_155, %scan3A_63 : i32
          %add3A_157 = arith.constant 1 : i32
          %add3A_158 = arith.addi %mul3A_156, %add3A_157 : i32
          %get3A_159 = arith.index_cast %add3A_158 : i32 to index
          %get3A_160 = arith.constant 32 : index
          %get3A_161 = tpu.vector_load %arg10[%get3A_159, %get3A_160] {strides = array<i32>} : memref<96x256xf32, #tpu.memory_space<vmem>>, vector<1x16xf32>,
          %get3A_162 = vector.shape_cast %get3A_161 : vector<1x16xf32> to vector<16xf32>
          %mul3A_163 = arith.mulf %get3A_76, %get3A_162 : vector<16xf32>
          %add3A_164 = arith.addf %mul3A_154, %mul3A_163 : vector<16xf32>
          %mul3A_165 = arith.constant 3 : i32
          %mul3A_166 = arith.muli %mul3A_165, %scan3A_63 : i32
          %add3A_167 = arith.constant 2 : i32
          %add3A_168 = arith.addi %mul3A_166, %add3A_167 : i32
          %get3A_169 = arith.index_cast %add3A_168 : i32 to index
          %get3A_170 = arith.constant 32 : index
          %get3A_171 = tpu.vector_load %arg10[%get3A_169, %get3A_170] {strides = array<i32>} : memref<96x256xf32, #tpu.memory_space<vmem>>, vector<1x16xf32>,
          %get3A_172 = vector.shape_cast %get3A_171 : vector<1x16xf32> to vector<16xf32>
          %mul3A_173 = arith.mulf %get3A_84, %get3A_172 : vector<16xf32>
          %add3A_174 = arith.addf %add3A_164, %mul3A_173 : vector<16xf32>
          %swap3A_175 = arith.index_cast %scan3A_63 : i32 to index
          %swap3A_176 = arith.constant 32 : index
          %swap3A_177 = tpu.vector_load %arg11[%swap3A_175, %swap3A_176] {strides = array<i32>} : memref<32x256xf32, #tpu.memory_space<vmem>>, vector<1x16xf32>,
          %swap3A_178 = vector.shape_cast %swap3A_177 : vector<1x16xf32> to vector<16xf32>
          %swap3A_179 = vector.shape_cast %add3A_174 : vector<16xf32> to vector<1x16xf32>
          tpu.vector_store %arg11[%swap3A_175, %swap3A_176], %swap3A_179 {strides = array<i32>} : memref<32x256xf32, #tpu.memory_space<vmem>>, vector<1x16xf32>,
          %mul3A_180 = arith.constant 3 : i32
          %mul3A_181 = arith.muli %mul3A_180, %scan3A_63 : i32
          %get3A_182 = arith.index_cast %mul3A_181 : i32 to index
          %get3A_183 = arith.constant 48 : index
          %get3A_184 = tpu.vector_load %arg10[%get3A_182, %get3A_183] {strides = array<i32>} : memref<96x256xf32, #tpu.memory_space<vmem>>, vector<1x16xf32>,
          %get3A_185 = vector.shape_cast %get3A_184 : vector<1x16xf32> to vector<16xf32>
          %mul3A_186 = arith.mulf %get3A_68, %get3A_185 : vector<16xf32>
          %mul3A_187 = arith.constant 3 : i32
          %mul3A_188 = arith.muli %mul3A_187, %scan3A_63 : i32
          %add3A_189 = arith.constant 1 : i32
          %add3A_190 = arith.addi %mul3A_188, %add3A_189 : i32
          %get3A_191 = arith.index_cast %add3A_190 : i32 to index
          %get3A_192 = arith.constant 48 : index
          %get3A_193 = tpu.vector_load %arg10[%get3A_191, %get3A_192] {strides = array<i32>} : memref<96x256xf32, #tpu.memory_space<vmem>>, vector<1x16xf32>,
          %get3A_194 = vector.shape_cast %get3A_193 : vector<1x16xf32> to vector<16xf32>
          %mul3A_195 = arith.mulf %get3A_76, %get3A_194 : vector<16xf32>
          %add3A_196 = arith.addf %mul3A_186, %mul3A_195 : vector<16xf32>
          %mul3A_197 = arith.constant 3 : i32
          %mul3A_198 = arith.muli %mul3A_197, %scan3A_63 : i32
          %add3A_199 = arith.constant 2 : i32
          %add3A_200 = arith.addi %mul3A_198, %add3A_199 : i32
          %get3A_201 = arith.index_cast %add3A_200 : i32 to index
          %get3A_202 = arith.constant 48 : index
          %get3A_203 = tpu.vector_load %arg10[%get3A_201, %get3A_202] {strides = array<i32>} : memref<96x256xf32, #tpu.memory_space<vmem>>, vector<1x16xf32>,
          %get3A_204 = vector.shape_cast %get3A_203 : vector<1x16xf32> to vector<16xf32>
          %mul3A_205 = arith.mulf %get3A_84, %get3A_204 : vector<16xf32>
          %add3A_206 = arith.addf %add3A_196, %mul3A_205 : vector<16xf32>
          %swap3A_207 = arith.index_cast %scan3A_63 : i32 to index
          %swap3A_208 = arith.constant 48 : index
          %swap3A_209 = tpu.vector_load %arg11[%swap3A_207, %swap3A_208] {strides = array<i32>} : memref<32x256xf32, #tpu.memory_space<vmem>>, vector<1x16xf32>,
          %swap3A_210 = vector.shape_cast %swap3A_209 : vector<1x16xf32> to vector<16xf32>
          %swap3A_211 = vector.shape_cast %add3A_206 : vector<16xf32> to vector<1x16xf32>
          tpu.vector_store %arg11[%swap3A_207, %swap3A_208], %swap3A_211 {strides = array<i32>} : memref<32x256xf32, #tpu.memory_space<vmem>>, vector<1x16xf32>,
          %mul3A_212 = arith.constant 3 : i32
          %mul3A_213 = arith.muli %mul3A_212, %scan3A_63 : i32
          %get3A_214 = arith.index_cast %mul3A_213 : i32 to index
          %get3A_215 = arith.constant 64 : index
          %get3A_216 = tpu.vector_load %arg10[%get3A_214, %get3A_215] {strides = array<i32>} : memref<96x256xf32, #tpu.memory_space<vmem>>, vector<1x16xf32>,
          %get3A_217 = vector.shape_cast %get3A_216 : vector<1x16xf32> to vector<16xf32>
          %mul3A_218 = arith.mulf %get3A_68, %get3A_217 : vector<16xf32>
          %mul3A_219 = arith.constant 3 : i32
          %mul3A_220 = arith.muli %mul3A_219, %scan3A_63 : i32
          %add3A_221 = arith.constant 1 : i32
          %add3A_222 = arith.addi %mul3A_220, %add3A_221 : i32
          %get3A_223 = arith.index_cast %add3A_222 : i32 to index
          %get3A_224 = arith.constant 64 : index
          %get3A_225 = tpu.vector_load %arg10[%get3A_223, %get3A_224] {strides = array<i32>} : memref<96x256xf32, #tpu.memory_space<vmem>>, vector<1x16xf32>,
          %get3A_226 = vector.shape_cast %get3A_225 : vector<1x16xf32> to vector<16xf32>
          %mul3A_227 = arith.mulf %get3A_76, %get3A_226 : vector<16xf32>
          %add3A_228 = arith.addf %mul3A_218, %mul3A_227 : vector<16xf32>
          %mul3A_229 = arith.constant 3 : i32
          %mul3A_230 = arith.muli %mul3A_229, %scan3A_63 : i32
          %add3A_231 = arith.constant 2 : i32
          %add3A_232 = arith.addi %mul3A_230, %add3A_231 : i32
          %get3A_233 = arith.index_cast %add3A_232 : i32 to index
          %get3A_234 = arith.constant 64 : index
          %get3A_235 = tpu.vector_load %arg10[%get3A_233, %get3A_234] {strides = array<i32>} : memref<96x256xf32, #tpu.memory_space<vmem>>, vector<1x16xf32>,
          %get3A_236 = vector.shape_cast %get3A_235 : vector<1x16xf32> to vector<16xf32>
          %mul3A_237 = arith.mulf %get3A_84, %get3A_236 : vector<16xf32>
          %add3A_238 = arith.addf %add3A_228, %mul3A_237 : vector<16xf32>
          %swap3A_239 = arith.index_cast %scan3A_63 : i32 to index
          %swap3A_240 = arith.constant 64 : index
          %swap3A_241 = tpu.vector_load %arg11[%swap3A_239, %swap3A_240] {strides = array<i32>} : memref<32x256xf32, #tpu.memory_space<vmem>>, vector<1x16xf32>,
          %swap3A_242 = vector.shape_cast %swap3A_241 : vector<1x16xf32> to vector<16xf32>
          %swap3A_243 = vector.shape_cast %add3A_238 : vector<16xf32> to vector<1x16xf32>
          tpu.vector_store %arg11[%swap3A_239, %swap3A_240], %swap3A_243 {strides = array<i32>} : memref<32x256xf32, #tpu.memory_space<vmem>>, vector<1x16xf32>,
          %mul3A_244 = arith.constant 3 : i32
          %mul3A_245 = arith.muli %mul3A_244, %scan3A_63 : i32
          %get3A_246 = arith.index_cast %mul3A_245 : i32 to index
          %get3A_247 = arith.constant 80 : index
          %get3A_248 = tpu.vector_load %arg10[%get3A_246, %get3A_247] {strides = array<i32>} : memref<96x256xf32, #tpu.memory_space<vmem>>, vector<1x16xf32>,
          %get3A_249 = vector.shape_cast %get3A_248 : vector<1x16xf32> to vector<16xf32>
          %mul3A_250 = arith.mulf %get3A_68, %get3A_249 : vector<16xf32>
          %mul3A_251 = arith.constant 3 : i32
          %mul3A_252 = arith.muli %mul3A_251, %scan3A_63 : i32
          %add3A_253 = arith.constant 1 : i32
          %add3A_254 = arith.addi %mul3A_252, %add3A_253 : i32
          %get3A_255 = arith.index_cast %add3A_254 : i32 to index
          %get3A_256 = arith.constant 80 : index
          %get3A_257 = tpu.vector_load %arg10[%get3A_255, %get3A_256] {strides = array<i32>} : memref<96x256xf32, #tpu.memory_space<vmem>>, vector<1x16xf32>,
          %get3A_258 = vector.shape_cast %get3A_257 : vector<1x16xf32> to vector<16xf32>
          %mul3A_259 = arith.mulf %get3A_76, %get3A_258 : vector<16xf32>
          %add3A_260 = arith.addf %mul3A_250, %mul3A_259 : vector<16xf32>
          %mul3A_261 = arith.constant 3 : i32
          %mul3A_262 = arith.muli %mul3A_261, %scan3A_63 : i32
          %add3A_263 = arith.constant 2 : i32
          %add3A_264 = arith.addi %mul3A_262, %add3A_263 : i32
          %get3A_265 = arith.index_cast %add3A_264 : i32 to index
          %get3A_266 = arith.constant 80 : index
          %get3A_267 = tpu.vector_load %arg10[%get3A_265, %get3A_266] {strides = array<i32>} : memref<96x256xf32, #tpu.memory_space<vmem>>, vector<1x16xf32>,
          %get3A_268 = vector.shape_cast %get3A_267 : vector<1x16xf32> to vector<16xf32>
          %mul3A_269 = arith.mulf %get3A_84, %get3A_268 : vector<16xf32>
          %add3A_270 = arith.addf %add3A_260, %mul3A_269 : vector<16xf32>
          %swap3A_271 = arith.index_cast %scan3A_63 : i32 to index
          %swap3A_272 = arith.constant 80 : index
          %swap3A_273 = tpu.vector_load %arg11[%swap3A_271, %swap3A_272] {strides = array<i32>} : memref<32x256xf32, #tpu.memory_space<vmem>>, vector<1x16xf32>,
          %swap3A_274 = vector.shape_cast %swap3A_273 : vector<1x16xf32> to vector<16xf32>
          %swap3A_275 = vector.shape_cast %add3A_270 : vector<16xf32> to vector<1x16xf32>
          tpu.vector_store %arg11[%swap3A_271, %swap3A_272], %swap3A_275 {strides = array<i32>} : memref<32x256xf32, #tpu.memory_space<vmem>>, vector<1x16xf32>,
          %mul3A_276 = arith.constant 3 : i32
          %mul3A_277 = arith.muli %mul3A_276, %scan3A_63 : i32
          %get3A_278 = arith.index_cast %mul3A_277 : i32 to index
          %get3A_279 = arith.constant 96 : index
          %get3A_280 = tpu.vector_load %arg10[%get3A_278, %get3A_279] {strides = array<i32>} : memref<96x256xf32, #tpu.memory_space<vmem>>, vector<1x16xf32>,
          %get3A_281 = vector.shape_cast %get3A_280 : vector<1x16xf32> to vector<16xf32>
          %mul3A_282 = arith.mulf %get3A_68, %get3A_281 : vector<16xf32>
          %mul3A_283 = arith.constant 3 : i32
          %mul3A_284 = arith.muli %mul3A_283, %scan3A_63 : i32
          %add3A_285 = arith.constant 1 : i32
          %add3A_286 = arith.addi %mul3A_284, %add3A_285 : i32
          %get3A_287 = arith.index_cast %add3A_286 : i32 to index
          %get3A_288 = arith.constant 96 : index
          %get3A_289 = tpu.vector_load %arg10[%get3A_287, %get3A_288] {strides = array<i32>} : memref<96x256xf32, #tpu.memory_space<vmem>>, vector<1x16xf32>,
          %get3A_290 = vector.shape_cast %get3A_289 : vector<1x16xf32> to vector<16xf32>
          %mul3A_291 = arith.mulf %get3A_76, %get3A_290 : vector<16xf32>
          %add3A_292 = arith.addf %mul3A_282, %mul3A_291 : vector<16xf32>
          %mul3A_293 = arith.constant 3 : i32
          %mul3A_294 = arith.muli %mul3A_293, %scan3A_63 : i32
          %add3A_295 = arith.constant 2 : i32
          %add3A_296 = arith.addi %mul3A_294, %add3A_295 : i32
          %get3A_297 = arith.index_cast %add3A_296 : i32 to index
          %get3A_298 = arith.constant 96 : index
          %get3A_299 = tpu.vector_load %arg10[%get3A_297, %get3A_298] {strides = array<i32>} : memref<96x256xf32, #tpu.memory_space<vmem>>, vector<1x16xf32>,
          %get3A_300 = vector.shape_cast %get3A_299 : vector<1x16xf32> to vector<16xf32>
          %mul3A_301 = arith.mulf %get3A_84, %get3A_300 : vector<16xf32>
          %add3A_302 = arith.addf %add3A_292, %mul3A_301 : vector<16xf32>
          %swap3A_303 = arith.index_cast %scan3A_63 : i32 to index
          %swap3A_304 = arith.constant 96 : index
          %swap3A_305 = tpu.vector_load %arg11[%swap3A_303, %swap3A_304] {strides = array<i32>} : memref<32x256xf32, #tpu.memory_space<vmem>>, vector<1x16xf32>,
          %swap3A_306 = vector.shape_cast %swap3A_305 : vector<1x16xf32> to vector<16xf32>
          %swap3A_307 = vector.shape_cast %add3A_302 : vector<16xf32> to vector<1x16xf32>
          tpu.vector_store %arg11[%swap3A_303, %swap3A_304], %swap3A_307 {strides = array<i32>} : memref<32x256xf32, #tpu.memory_space<vmem>>, vector<1x16xf32>,
          %mul3A_308 = arith.constant 3 : i32
          %mul3A_309 = arith.muli %mul3A_308, %scan3A_63 : i32
          %get3A_310 = arith.index_cast %mul3A_309 : i32 to index
          %get3A_311 = arith.constant 112 : index
          %get3A_312 = tpu.vector_load %arg10[%get3A_310, %get3A_311] {strides = array<i32>} : memref<96x256xf32, #tpu.memory_space<vmem>>, vector<1x16xf32>,
          %get3A_313 = vector.shape_cast %get3A_312 : vector<1x16xf32> to vector<16xf32>
          %mul3A_314 = arith.mulf %get3A_68, %get3A_313 : vector<16xf32>
          %mul3A_315 = arith.constant 3 : i32
          %mul3A_316 = arith.muli %mul3A_315, %scan3A_63 : i32
          %add3A_317 = arith.constant 1 : i32
          %add3A_318 = arith.addi %mul3A_316, %add3A_317 : i32
          %get3A_319 = arith.index_cast %add3A_318 : i32 to index
          %get3A_320 = arith.constant 112 : index
          %get3A_321 = tpu.vector_load %arg10[%get3A_319, %get3A_320] {strides = array<i32>} : memref<96x256xf32, #tpu.memory_space<vmem>>, vector<1x16xf32>,
          %get3A_322 = vector.shape_cast %get3A_321 : vector<1x16xf32> to vector<16xf32>
          %mul3A_323 = arith.mulf %get3A_76, %get3A_322 : vector<16xf32>
          %add3A_324 = arith.addf %mul3A_314, %mul3A_323 : vector<16xf32>
          %mul3A_325 = arith.constant 3 : i32
          %mul3A_326 = arith.muli %mul3A_325, %scan3A_63 : i32
          %add3A_327 = arith.constant 2 : i32
          %add3A_328 = arith.addi %mul3A_326, %add3A_327 : i32
          %get3A_329 = arith.index_cast %add3A_328 : i32 to index
          %get3A_330 = arith.constant 112 : index
          %get3A_331 = tpu.vector_load %arg10[%get3A_329, %get3A_330] {strides = array<i32>} : memref<96x256xf32, #tpu.memory_space<vmem>>, vector<1x16xf32>,
          %get3A_332 = vector.shape_cast %get3A_331 : vector<1x16xf32> to vector<16xf32>
          %mul3A_333 = arith.mulf %get3A_84, %get3A_332 : vector<16xf32>
          %add3A_334 = arith.addf %add3A_324, %mul3A_333 : vector<16xf32>
          %swap3A_335 = arith.index_cast %scan3A_63 : i32 to index
          %swap3A_336 = arith.constant 112 : index
          %swap3A_337 = tpu.vector_load %arg11[%swap3A_335, %swap3A_336] {strides = array<i32>} : memref<32x256xf32, #tpu.memory_space<vmem>>, vector<1x16xf32>,
          %swap3A_338 = vector.shape_cast %swap3A_337 : vector<1x16xf32> to vector<16xf32>
          %swap3A_339 = vector.shape_cast %add3A_334 : vector<16xf32> to vector<1x16xf32>
          tpu.vector_store %arg11[%swap3A_335, %swap3A_336], %swap3A_339 {strides = array<i32>} : memref<32x256xf32, #tpu.memory_space<vmem>>, vector<1x16xf32>,
          %mul3A_340 = arith.constant 3 : i32
          %mul3A_341 = arith.muli %mul3A_340, %scan3A_63 : i32
          %get3A_342 = arith.index_cast %mul3A_341 : i32 to index
          %get3A_343 = arith.constant 128 : index
          %get3A_344 = tpu.vector_load %arg10[%get3A_342, %get3A_343] {strides = array<i32>} : memref<96x256xf32, #tpu.memory_space<vmem>>, vector<1x16xf32>,
          %get3A_345 = vector.shape_cast %get3A_344 : vector<1x16xf32> to vector<16xf32>
          %mul3A_346 = arith.mulf %get3A_68, %get3A_345 : vector<16xf32>
          %mul3A_347 = arith.constant 3 : i32
          %mul3A_348 = arith.muli %mul3A_347, %scan3A_63 : i32
          %add3A_349 = arith.constant 1 : i32
          %add3A_350 = arith.addi %mul3A_348, %add3A_349 : i32
          %get3A_351 = arith.index_cast %add3A_350 : i32 to index
          %get3A_352 = arith.constant 128 : index
          %get3A_353 = tpu.vector_load %arg10[%get3A_351, %get3A_352] {strides = array<i32>} : memref<96x256xf32, #tpu.memory_space<vmem>>, vector<1x16xf32>,
          %get3A_354 = vector.shape_cast %get3A_353 : vector<1x16xf32> to vector<16xf32>
          %mul3A_355 = arith.mulf %get3A_76, %get3A_354 : vector<16xf32>
          %add3A_356 = arith.addf %mul3A_346, %mul3A_355 : vector<16xf32>
          %mul3A_357 = arith.constant 3 : i32
          %mul3A_358 = arith.muli %mul3A_357, %scan3A_63 : i32
          %add3A_359 = arith.constant 2 : i32
          %add3A_360 = arith.addi %mul3A_358, %add3A_359 : i32
          %get3A_361 = arith.index_cast %add3A_360 : i32 to index
          %get3A_362 = arith.constant 128 : index
          %get3A_363 = tpu.vector_load %arg10[%get3A_361, %get3A_362] {strides = array<i32>} : memref<96x256xf32, #tpu.memory_space<vmem>>, vector<1x16xf32>,
          %get3A_364 = vector.shape_cast %get3A_363 : vector<1x16xf32> to vector<16xf32>
          %mul3A_365 = arith.mulf %get3A_84, %get3A_364 : vector<16xf32>
          %add3A_366 = arith.addf %add3A_356, %mul3A_365 : vector<16xf32>
          %swap3A_367 = arith.index_cast %scan3A_63 : i32 to index
          %swap3A_368 = arith.constant 128 : index
          %swap3A_369 = tpu.vector_load %arg11[%swap3A_367, %swap3A_368] {strides = array<i32>} : memref<32x256xf32, #tpu.memory_space<vmem>>, vector<1x16xf32>,
          %swap3A_370 = vector.shape_cast %swap3A_369 : vector<1x16xf32> to vector<16xf32>
          %swap3A_371 = vector.shape_cast %add3A_366 : vector<16xf32> to vector<1x16xf32>
          tpu.vector_store %arg11[%swap3A_367, %swap3A_368], %swap3A_371 {strides = array<i32>} : memref<32x256xf32, #tpu.memory_space<vmem>>, vector<1x16xf32>,
          %mul3A_372 = arith.constant 3 : i32
          %mul3A_373 = arith.muli %mul3A_372, %scan3A_63 : i32
          %get3A_374 = arith.index_cast %mul3A_373 : i32 to index
          %get3A_375 = arith.constant 144 : index
          %get3A_376 = tpu.vector_load %arg10[%get3A_374, %get3A_375] {strides = array<i32>} : memref<96x256xf32, #tpu.memory_space<vmem>>, vector<1x16xf32>,
          %get3A_377 = vector.shape_cast %get3A_376 : vector<1x16xf32> to vector<16xf32>
          %mul3A_378 = arith.mulf %get3A_68, %get3A_377 : vector<16xf32>
          %mul3A_379 = arith.constant 3 : i32
          %mul3A_380 = arith.muli %mul3A_379, %scan3A_63 : i32
          %add3A_381 = arith.constant 1 : i32
          %add3A_382 = arith.addi %mul3A_380, %add3A_381 : i32
          %get3A_383 = arith.index_cast %add3A_382 : i32 to index
          %get3A_384 = arith.constant 144 : index
          %get3A_385 = tpu.vector_load %arg10[%get3A_383, %get3A_384] {strides = array<i32>} : memref<96x256xf32, #tpu.memory_space<vmem>>, vector<1x16xf32>,
          %get3A_386 = vector.shape_cast %get3A_385 : vector<1x16xf32> to vector<16xf32>
          %mul3A_387 = arith.mulf %get3A_76, %get3A_386 : vector<16xf32>
          %add3A_388 = arith.addf %mul3A_378, %mul3A_387 : vector<16xf32>
          %mul3A_389 = arith.constant 3 : i32
          %mul3A_390 = arith.muli %mul3A_389, %scan3A_63 : i32
          %add3A_391 = arith.constant 2 : i32
          %add3A_392 = arith.addi %mul3A_390, %add3A_391 : i32
          %get3A_393 = arith.index_cast %add3A_392 : i32 to index
          %get3A_394 = arith.constant 144 : index
          %get3A_395 = tpu.vector_load %arg10[%get3A_393, %get3A_394] {strides = array<i32>} : memref<96x256xf32, #tpu.memory_space<vmem>>, vector<1x16xf32>,
          %get3A_396 = vector.shape_cast %get3A_395 : vector<1x16xf32> to vector<16xf32>
          %mul3A_397 = arith.mulf %get3A_84, %get3A_396 : vector<16xf32>
          %add3A_398 = arith.addf %add3A_388, %mul3A_397 : vector<16xf32>
          %swap3A_399 = arith.index_cast %scan3A_63 : i32 to index
          %swap3A_400 = arith.constant 144 : index
          %swap3A_401 = tpu.vector_load %arg11[%swap3A_399, %swap3A_400] {strides = array<i32>} : memref<32x256xf32, #tpu.memory_space<vmem>>, vector<1x16xf32>,
          %swap3A_402 = vector.shape_cast %swap3A_401 : vector<1x16xf32> to vector<16xf32>
          %swap3A_403 = vector.shape_cast %add3A_398 : vector<16xf32> to vector<1x16xf32>
          tpu.vector_store %arg11[%swap3A_399, %swap3A_400], %swap3A_403 {strides = array<i32>} : memref<32x256xf32, #tpu.memory_space<vmem>>, vector<1x16xf32>,
          %mul3A_404 = arith.constant 3 : i32
          %mul3A_405 = arith.muli %mul3A_404, %scan3A_63 : i32
          %get3A_406 = arith.index_cast %mul3A_405 : i32 to index
          %get3A_407 = arith.constant 160 : index
          %get3A_408 = tpu.vector_load %arg10[%get3A_406, %get3A_407] {strides = array<i32>} : memref<96x256xf32, #tpu.memory_space<vmem>>, vector<1x16xf32>,
          %get3A_409 = vector.shape_cast %get3A_408 : vector<1x16xf32> to vector<16xf32>
          %mul3A_410 = arith.mulf %get3A_68, %get3A_409 : vector<16xf32>
          %mul3A_411 = arith.constant 3 : i32
          %mul3A_412 = arith.muli %mul3A_411, %scan3A_63 : i32
          %add3A_413 = arith.constant 1 : i32
          %add3A_414 = arith.addi %mul3A_412, %add3A_413 : i32
          %get3A_415 = arith.index_cast %add3A_414 : i32 to index
          %get3A_416 = arith.constant 160 : index
          %get3A_417 = tpu.vector_load %arg10[%get3A_415, %get3A_416] {strides = array<i32>} : memref<96x256xf32, #tpu.memory_space<vmem>>, vector<1x16xf32>,
          %get3A_418 = vector.shape_cast %get3A_417 : vector<1x16xf32> to vector<16xf32>
          %mul3A_419 = arith.mulf %get3A_76, %get3A_418 : vector<16xf32>
          %add3A_420 = arith.addf %mul3A_410, %mul3A_419 : vector<16xf32>
          %mul3A_421 = arith.constant 3 : i32
          %mul3A_422 = arith.muli %mul3A_421, %scan3A_63 : i32
          %add3A_423 = arith.constant 2 : i32
          %add3A_424 = arith.addi %mul3A_422, %add3A_423 : i32
          %get3A_425 = arith.index_cast %add3A_424 : i32 to index
          %get3A_426 = arith.constant 160 : index
          %get3A_427 = tpu.vector_load %arg10[%get3A_425, %get3A_426] {strides = array<i32>} : memref<96x256xf32, #tpu.memory_space<vmem>>, vector<1x16xf32>,
          %get3A_428 = vector.shape_cast %get3A_427 : vector<1x16xf32> to vector<16xf32>
          %mul3A_429 = arith.mulf %get3A_84, %get3A_428 : vector<16xf32>
          %add3A_430 = arith.addf %add3A_420, %mul3A_429 : vector<16xf32>
          %swap3A_431 = arith.index_cast %scan3A_63 : i32 to index
          %swap3A_432 = arith.constant 160 : index
          %swap3A_433 = tpu.vector_load %arg11[%swap3A_431, %swap3A_432] {strides = array<i32>} : memref<32x256xf32, #tpu.memory_space<vmem>>, vector<1x16xf32>,
          %swap3A_434 = vector.shape_cast %swap3A_433 : vector<1x16xf32> to vector<16xf32>
          %swap3A_435 = vector.shape_cast %add3A_430 : vector<16xf32> to vector<1x16xf32>
          tpu.vector_store %arg11[%swap3A_431, %swap3A_432], %swap3A_435 {strides = array<i32>} : memref<32x256xf32, #tpu.memory_space<vmem>>, vector<1x16xf32>,
          %mul3A_436 = arith.constant 3 : i32
          %mul3A_437 = arith.muli %mul3A_436, %scan3A_63 : i32
          %get3A_438 = arith.index_cast %mul3A_437 : i32 to index
          %get3A_439 = arith.constant 176 : index
          %get3A_440 = tpu.vector_load %arg10[%get3A_438, %get3A_439] {strides = array<i32>} : memref<96x256xf32, #tpu.memory_space<vmem>>, vector<1x16xf32>,
          %get3A_441 = vector.shape_cast %get3A_440 : vector<1x16xf32> to vector<16xf32>
          %mul3A_442 = arith.mulf %get3A_68, %get3A_441 : vector<16xf32>
          %mul3A_443 = arith.constant 3 : i32
          %mul3A_444 = arith.muli %mul3A_443, %scan3A_63 : i32
          %add3A_445 = arith.constant 1 : i32
          %add3A_446 = arith.addi %mul3A_444, %add3A_445 : i32
          %get3A_447 = arith.index_cast %add3A_446 : i32 to index
          %get3A_448 = arith.constant 176 : index
          %get3A_449 = tpu.vector_load %arg10[%get3A_447, %get3A_448] {strides = array<i32>} : memref<96x256xf32, #tpu.memory_space<vmem>>, vector<1x16xf32>,
          %get3A_450 = vector.shape_cast %get3A_449 : vector<1x16xf32> to vector<16xf32>
          %mul3A_451 = arith.mulf %get3A_76, %get3A_450 : vector<16xf32>
          %add3A_452 = arith.addf %mul3A_442, %mul3A_451 : vector<16xf32>
          %mul3A_453 = arith.constant 3 : i32
          %mul3A_454 = arith.muli %mul3A_453, %scan3A_63 : i32
          %add3A_455 = arith.constant 2 : i32
          %add3A_456 = arith.addi %mul3A_454, %add3A_455 : i32
          %get3A_457 = arith.index_cast %add3A_456 : i32 to index
          %get3A_458 = arith.constant 176 : index
          %get3A_459 = tpu.vector_load %arg10[%get3A_457, %get3A_458] {strides = array<i32>} : memref<96x256xf32, #tpu.memory_space<vmem>>, vector<1x16xf32>,
          %get3A_460 = vector.shape_cast %get3A_459 : vector<1x16xf32> to vector<16xf32>
          %mul3A_461 = arith.mulf %get3A_84, %get3A_460 : vector<16xf32>
          %add3A_462 = arith.addf %add3A_452, %mul3A_461 : vector<16xf32>
          %swap3A_463 = arith.index_cast %scan3A_63 : i32 to index
          %swap3A_464 = arith.constant 176 : index
          %swap3A_465 = tpu.vector_load %arg11[%swap3A_463, %swap3A_464] {strides = array<i32>} : memref<32x256xf32, #tpu.memory_space<vmem>>, vector<1x16xf32>,
          %swap3A_466 = vector.shape_cast %swap3A_465 : vector<1x16xf32> to vector<16xf32>
          %swap3A_467 = vector.shape_cast %add3A_462 : vector<16xf32> to vector<1x16xf32>
          tpu.vector_store %arg11[%swap3A_463, %swap3A_464], %swap3A_467 {strides = array<i32>} : memref<32x256xf32, #tpu.memory_space<vmem>>, vector<1x16xf32>,
          %mul3A_468 = arith.constant 3 : i32
          %mul3A_469 = arith.muli %mul3A_468, %scan3A_63 : i32
          %get3A_470 = arith.index_cast %mul3A_469 : i32 to index
          %get3A_471 = arith.constant 192 : index
          %get3A_472 = tpu.vector_load %arg10[%get3A_470, %get3A_471] {strides = array<i32>} : memref<96x256xf32, #tpu.memory_space<vmem>>, vector<1x16xf32>,
          %get3A_473 = vector.shape_cast %get3A_472 : vector<1x16xf32> to vector<16xf32>
          %mul3A_474 = arith.mulf %get3A_68, %get3A_473 : vector<16xf32>
          %mul3A_475 = arith.constant 3 : i32
          %mul3A_476 = arith.muli %mul3A_475, %scan3A_63 : i32
          %add3A_477 = arith.constant 1 : i32
          %add3A_478 = arith.addi %mul3A_476, %add3A_477 : i32
          %get3A_479 = arith.index_cast %add3A_478 : i32 to index
          %get3A_480 = arith.constant 192 : index
          %get3A_481 = tpu.vector_load %arg10[%get3A_479, %get3A_480] {strides = array<i32>} : memref<96x256xf32, #tpu.memory_space<vmem>>, vector<1x16xf32>,
          %get3A_482 = vector.shape_cast %get3A_481 : vector<1x16xf32> to vector<16xf32>
          %mul3A_483 = arith.mulf %get3A_76, %get3A_482 : vector<16xf32>
          %add3A_484 = arith.addf %mul3A_474, %mul3A_483 : vector<16xf32>
          %mul3A_485 = arith.constant 3 : i32
          %mul3A_486 = arith.muli %mul3A_485, %scan3A_63 : i32
          %add3A_487 = arith.constant 2 : i32
          %add3A_488 = arith.addi %mul3A_486, %add3A_487 : i32
          %get3A_489 = arith.index_cast %add3A_488 : i32 to index
          %get3A_490 = arith.constant 192 : index
          %get3A_491 = tpu.vector_load %arg10[%get3A_489, %get3A_490] {strides = array<i32>} : memref<96x256xf32, #tpu.memory_space<vmem>>, vector<1x16xf32>,
          %get3A_492 = vector.shape_cast %get3A_491 : vector<1x16xf32> to vector<16xf32>
          %mul3A_493 = arith.mulf %get3A_84, %get3A_492 : vector<16xf32>
          %add3A_494 = arith.addf %add3A_484, %mul3A_493 : vector<16xf32>
          %swap3A_495 = arith.index_cast %scan3A_63 : i32 to index
          %swap3A_496 = arith.constant 192 : index
          %swap3A_497 = tpu.vector_load %arg11[%swap3A_495, %swap3A_496] {strides = array<i32>} : memref<32x256xf32, #tpu.memory_space<vmem>>, vector<1x16xf32>,
          %swap3A_498 = vector.shape_cast %swap3A_497 : vector<1x16xf32> to vector<16xf32>
          %swap3A_499 = vector.shape_cast %add3A_494 : vector<16xf32> to vector<1x16xf32>
          tpu.vector_store %arg11[%swap3A_495, %swap3A_496], %swap3A_499 {strides = array<i32>} : memref<32x256xf32, #tpu.memory_space<vmem>>, vector<1x16xf32>,
          %mul3A_500 = arith.constant 3 : i32
          %mul3A_501 = arith.muli %mul3A_500, %scan3A_63 : i32
          %get3A_502 = arith.index_cast %mul3A_501 : i32 to index
          %get3A_503 = arith.constant 208 : index
          %get3A_504 = tpu.vector_load %arg10[%get3A_502, %get3A_503] {strides = array<i32>} : memref<96x256xf32, #tpu.memory_space<vmem>>, vector<1x16xf32>,
          %get3A_505 = vector.shape_cast %get3A_504 : vector<1x16xf32> to vector<16xf32>
          %mul3A_506 = arith.mulf %get3A_68, %get3A_505 : vector<16xf32>
          %mul3A_507 = arith.constant 3 : i32
          %mul3A_508 = arith.muli %mul3A_507, %scan3A_63 : i32
          %add3A_509 = arith.constant 1 : i32
          %add3A_510 = arith.addi %mul3A_508, %add3A_509 : i32
          %get3A_511 = arith.index_cast %add3A_510 : i32 to index
          %get3A_512 = arith.constant 208 : index
          %get3A_513 = tpu.vector_load %arg10[%get3A_511, %get3A_512] {strides = array<i32>} : memref<96x256xf32, #tpu.memory_space<vmem>>, vector<1x16xf32>,
          %get3A_514 = vector.shape_cast %get3A_513 : vector<1x16xf32> to vector<16xf32>
          %mul3A_515 = arith.mulf %get3A_76, %get3A_514 : vector<16xf32>
          %add3A_516 = arith.addf %mul3A_506, %mul3A_515 : vector<16xf32>
          %mul3A_517 = arith.constant 3 : i32
          %mul3A_518 = arith.muli %mul3A_517, %scan3A_63 : i32
          %add3A_519 = arith.constant 2 : i32
          %add3A_520 = arith.addi %mul3A_518, %add3A_519 : i32
          %get3A_521 = arith.index_cast %add3A_520 : i32 to index
          %get3A_522 = arith.constant 208 : index
          %get3A_523 = tpu.vector_load %arg10[%get3A_521, %get3A_522] {strides = array<i32>} : memref<96x256xf32, #tpu.memory_space<vmem>>, vector<1x16xf32>,
          %get3A_524 = vector.shape_cast %get3A_523 : vector<1x16xf32> to vector<16xf32>
          %mul3A_525 = arith.mulf %get3A_84, %get3A_524 : vector<16xf32>
          %add3A_526 = arith.addf %add3A_516, %mul3A_525 : vector<16xf32>
          %swap3A_527 = arith.index_cast %scan3A_63 : i32 to index
          %swap3A_528 = arith.constant 208 : index
          %swap3A_529 = tpu.vector_load %arg11[%swap3A_527, %swap3A_528] {strides = array<i32>} : memref<32x256xf32, #tpu.memory_space<vmem>>, vector<1x16xf32>,
          %swap3A_530 = vector.shape_cast %swap3A_529 : vector<1x16xf32> to vector<16xf32>
          %swap3A_531 = vector.shape_cast %add3A_526 : vector<16xf32> to vector<1x16xf32>
          tpu.vector_store %arg11[%swap3A_527, %swap3A_528], %swap3A_531 {strides = array<i32>} : memref<32x256xf32, #tpu.memory_space<vmem>>, vector<1x16xf32>,
          %mul3A_532 = arith.constant 3 : i32
          %mul3A_533 = arith.muli %mul3A_532, %scan3A_63 : i32
          %get3A_534 = arith.index_cast %mul3A_533 : i32 to index
          %get3A_535 = arith.constant 224 : index
          %get3A_536 = tpu.vector_load %arg10[%get3A_534, %get3A_535] {strides = array<i32>} : memref<96x256xf32, #tpu.memory_space<vmem>>, vector<1x16xf32>,
          %get3A_537 = vector.shape_cast %get3A_536 : vector<1x16xf32> to vector<16xf32>
          %mul3A_538 = arith.mulf %get3A_68, %get3A_537 : vector<16xf32>
          %mul3A_539 = arith.constant 3 : i32
          %mul3A_540 = arith.muli %mul3A_539, %scan3A_63 : i32
          %add3A_541 = arith.constant 1 : i32
          %add3A_542 = arith.addi %mul3A_540, %add3A_541 : i32
          %get3A_543 = arith.index_cast %add3A_542 : i32 to index
          %get3A_544 = arith.constant 224 : index
          %get3A_545 = tpu.vector_load %arg10[%get3A_543, %get3A_544] {strides = array<i32>} : memref<96x256xf32, #tpu.memory_space<vmem>>, vector<1x16xf32>,
          %get3A_546 = vector.shape_cast %get3A_545 : vector<1x16xf32> to vector<16xf32>
          %mul3A_547 = arith.mulf %get3A_76, %get3A_546 : vector<16xf32>
          %add3A_548 = arith.addf %mul3A_538, %mul3A_547 : vector<16xf32>
          %mul3A_549 = arith.constant 3 : i32
          %mul3A_550 = arith.muli %mul3A_549, %scan3A_63 : i32
          %add3A_551 = arith.constant 2 : i32
          %add3A_552 = arith.addi %mul3A_550, %add3A_551 : i32
          %get3A_553 = arith.index_cast %add3A_552 : i32 to index
          %get3A_554 = arith.constant 224 : index
          %get3A_555 = tpu.vector_load %arg10[%get3A_553, %get3A_554] {strides = array<i32>} : memref<96x256xf32, #tpu.memory_space<vmem>>, vector<1x16xf32>,
          %get3A_556 = vector.shape_cast %get3A_555 : vector<1x16xf32> to vector<16xf32>
          %mul3A_557 = arith.mulf %get3A_84, %get3A_556 : vector<16xf32>
          %add3A_558 = arith.addf %add3A_548, %mul3A_557 : vector<16xf32>
          %swap3A_559 = arith.index_cast %scan3A_63 : i32 to index
          %swap3A_560 = arith.constant 224 : index
          %swap3A_561 = tpu.vector_load %arg11[%swap3A_559, %swap3A_560] {strides = array<i32>} : memref<32x256xf32, #tpu.memory_space<vmem>>, vector<1x16xf32>,
          %swap3A_562 = vector.shape_cast %swap3A_561 : vector<1x16xf32> to vector<16xf32>
          %swap3A_563 = vector.shape_cast %add3A_558 : vector<16xf32> to vector<1x16xf32>
          tpu.vector_store %arg11[%swap3A_559, %swap3A_560], %swap3A_563 {strides = array<i32>} : memref<32x256xf32, #tpu.memory_space<vmem>>, vector<1x16xf32>,
          %mul3A_564 = arith.constant 3 : i32
          %mul3A_565 = arith.muli %mul3A_564, %scan3A_63 : i32
          %get3A_566 = arith.index_cast %mul3A_565 : i32 to index
          %get3A_567 = arith.constant 240 : index
          %get3A_568 = tpu.vector_load %arg10[%get3A_566, %get3A_567] {strides = array<i32>} : memref<96x256xf32, #tpu.memory_space<vmem>>, vector<1x16xf32>,
          %get3A_569 = vector.shape_cast %get3A_568 : vector<1x16xf32> to vector<16xf32>
          %mul3A_570 = arith.mulf %get3A_68, %get3A_569 : vector<16xf32>
          %mul3A_571 = arith.constant 3 : i32
          %mul3A_572 = arith.muli %mul3A_571, %scan3A_63 : i32
          %add3A_573 = arith.constant 1 : i32
          %add3A_574 = arith.addi %mul3A_572, %add3A_573 : i32
          %get3A_575 = arith.index_cast %add3A_574 : i32 to index
          %get3A_576 = arith.constant 240 : index
          %get3A_577 = tpu.vector_load %arg10[%get3A_575, %get3A_576] {strides = array<i32>} : memref<96x256xf32, #tpu.memory_space<vmem>>, vector<1x16xf32>,
          %get3A_578 = vector.shape_cast %get3A_577 : vector<1x16xf32> to vector<16xf32>
          %mul3A_579 = arith.mulf %get3A_76, %get3A_578 : vector<16xf32>
          %add3A_580 = arith.addf %mul3A_570, %mul3A_579 : vector<16xf32>
          %mul3A_581 = arith.constant 3 : i32
          %mul3A_582 = arith.muli %mul3A_581, %scan3A_63 : i32
          %add3A_583 = arith.constant 2 : i32
          %add3A_584 = arith.addi %mul3A_582, %add3A_583 : i32
          %get3A_585 = arith.index_cast %add3A_584 : i32 to index
          %get3A_586 = arith.constant 240 : index
          %get3A_587 = tpu.vector_load %arg10[%get3A_585, %get3A_586] {strides = array<i32>} : memref<96x256xf32, #tpu.memory_space<vmem>>, vector<1x16xf32>,
          %get3A_588 = vector.shape_cast %get3A_587 : vector<1x16xf32> to vector<16xf32>
          %mul3A_589 = arith.mulf %get3A_84, %get3A_588 : vector<16xf32>
          %add3A_590 = arith.addf %add3A_580, %mul3A_589 : vector<16xf32>
          %swap3A_591 = arith.index_cast %scan3A_63 : i32 to index
          %swap3A_592 = arith.constant 240 : index
          %swap3A_593 = tpu.vector_load %arg11[%swap3A_591, %swap3A_592] {strides = array<i32>} : memref<32x256xf32, #tpu.memory_space<vmem>>, vector<1x16xf32>,
          %swap3A_594 = vector.shape_cast %swap3A_593 : vector<1x16xf32> to vector<16xf32>
          %swap3A_595 = vector.shape_cast %add3A_590 : vector<16xf32> to vector<1x16xf32>
          tpu.vector_store %arg11[%swap3A_591, %swap3A_592], %swap3A_595 {strides = array<i32>} : memref<32x256xf32, #tpu.memory_space<vmem>>, vector<1x16xf32>,
        }
        %scan3A_59 = arith.constant 32 : i32
        %mul3A_60 = arith.constant 32 : i32
        %mul3A_61 = arith.muli %add3A_35, %mul3A_60 : i32
        %add3A_62 = arith.addi %mul3A_2, %mul3A_61 : i32
        "tpu.region"() ({
          %run_scoped3A = tpu.sem_alloc : memref<!tpu.dma_semaphore, #tpu.memory_space<semaphore_mem>>
          %dma_start3A_63 = arith.constant 0 : i32
          %dma_start3A_64 = tpu.memref_slice %arg5[%add3A_62, %dma_start3A_63] : memref<32768x256xf32, #tpu.memory_space<hbm>> -> memref<32x256xf32, #tpu.memory_space<hbm>>
          %dma_start3A_65 = arith.constant 0 : i32
          %dma_start3A_66 = tpu.memref_slice %arg5[%add3A_62, %dma_start3A_65] : memref<32768x256xf32, #tpu.memory_space<hbm>> -> memref<32x256xf32, #tpu.memory_space<hbm>>
          tpu.enqueue_dma source(%arg11 : memref<32x256xf32, #tpu.memory_space<vmem>>) target(%dma_start3A_66 : memref<32x256xf32, #tpu.memory_space<hbm>>) target_semaphore(%run_scoped3A : memref<!tpu.dma_semaphore, #tpu.memory_space<semaphore_mem>>)
          %dma_wait3A_67 = arith.constant 0 : i32
          %dma_wait3A_68 = tpu.memref_slice %arg5[%add3A_62, %dma_wait3A_67] : memref<32768x256xf32, #tpu.memory_space<hbm>> -> memref<32x256xf32, #tpu.memory_space<hbm>>
          %dma_wait3A_69 = arith.constant 0 : i32
          %dma_wait3A_70 = tpu.memref_slice %arg5[%add3A_62, %dma_wait3A_69] : memref<32768x256xf32, #tpu.memory_space<hbm>> -> memref<32x256xf32, #tpu.memory_space<hbm>>
          tpu.wait_dma2 semaphore(%run_scoped3A : memref<!tpu.dma_semaphore, #tpu.memory_space<semaphore_mem>>) src(%arg11 : memref<32x256xf32, #tpu.memory_space<vmem>>) dst(%dma_wait3A_70 : memref<32x256xf32, #tpu.memory_space<hbm>>)
          tpu.yield
        }) : () -> ()
      } else {
      }
    }
    %scan3A_21 = arith.constant 16 : i32
    return
  }
}

module attributes {stable_mosaic.version = 14 : i64} {
  func.func @_top3_kernel(%arg0: i32, %arg1: i32, %arg2: memref<1x256x3xf32, #tpu.memory_space<vmem>>, %arg3: memref<1x2048x3xf32, #tpu.memory_space<vmem>>, %arg4: memref<1x256x3xi32, #tpu.memory_space<vmem>>, %arg5: memref<1x256x3xf32, #tpu.memory_space<vmem>>) attributes {dimension_semantics = [#tpu.dimension_semantics<arbitrary>, #tpu.dimension_semantics<arbitrary>], iteration_bounds = array<i64: 4, 32>, scalar_prefetch = 0 : i64, scratch_operands = 0 : i64, tpu.core_type = #tpu.core_type<tc>, window_params = [{transform_indices = @transform_0, window_bounds = array<i64: 1, 256, 3>}, {transform_indices = @transform_1, window_bounds = array<i64: 1, 2048, 3>}, {transform_indices = @transform_2, window_bounds = array<i64: 1, 256, 3>}, {transform_indices = @transform_3, window_bounds = array<i64: 1, 256, 3>}]} {
    %get3A = arith.constant 0 : index
    %get3A_0 = arith.constant 0 : index
    %get3A_1 = arith.constant 0 : index
    %get3A_2 = vector.load %arg2[%get3A, %get3A_0, %get3A_1] : memref<1x256x3xf32, #tpu.memory_space<vmem>>, vector<1x256x3xf32>
    %get3A_3 = vector.shape_cast %get3A_2 : vector<1x256x3xf32> to vector<256x3xf32>
    %get3A_4 = arith.constant 0 : index
    %get3A_5 = arith.constant 0 : index
    %get3A_6 = arith.constant 0 : index
    %get3A_7 = vector.load %arg3[%get3A_4, %get3A_5, %get3A_6] : memref<1x2048x3xf32, #tpu.memory_space<vmem>>, vector<1x2048x3xf32>
    %get3A_8 = vector.shape_cast %get3A_7 : vector<1x2048x3xf32> to vector<2048x3xf32>
    %dot_general3A = arith.constant dense<0.000000e+00> : vector<256x2048xf32>
    %dot_general3A_9 = tpu.matmul %get3A_3, %get3A_8, %dot_general3A {dimension_numbers = #tpu.dot_dimension_numbers<[1], [1], [0], [0], [0, 0, 1, 0], [], []>, transpose_lhs_hint = false} : vector<256x3xf32>, vector<2048x3xf32>, vector<256x2048xf32> -> vector<256x2048xf32>
    %mul3A = arith.constant -2.000000e+00 : f32
    %mul3A_10 = vector.broadcast %mul3A : f32 to vector<256x2048xf32>
    %mul3A_11 = arith.mulf %mul3A_10, %dot_general3A_9 : vector<256x2048xf32>
    %mul3A_12 = arith.mulf %get3A_3, %get3A_3 : vector<256x3xf32>
    %reduce_sum3A = arith.constant dense<0.000000e+00> : vector<256xf32>
    %reduce_sum3A_13 = vector.multi_reduction <add>, %mul3A_12, %reduce_sum3A [1] : vector<256x3xf32> to vector<256xf32>
    %broadcast_in_dim3A = vector.shape_cast %reduce_sum3A_13 : vector<256xf32> to vector<256x1xf32>
    %add3A = vector.broadcast %broadcast_in_dim3A : vector<256x1xf32> to vector<256x2048xf32>
    %add3A_14 = arith.addf %mul3A_11, %add3A : vector<256x2048xf32>
    %mul3A_15 = arith.mulf %get3A_8, %get3A_8 : vector<2048x3xf32>
    %reduce_sum3A_16 = arith.constant dense<0.000000e+00> : vector<2048xf32>
    %reduce_sum3A_17 = vector.multi_reduction <add>, %mul3A_15, %reduce_sum3A_16 [1] : vector<2048x3xf32> to vector<2048xf32>
    %broadcast_in_dim3A_18 = vector.shape_cast %reduce_sum3A_17 : vector<2048xf32> to vector<1x2048xf32>
    %add3A_19 = vector.broadcast %broadcast_in_dim3A_18 : vector<1x2048xf32> to vector<256x2048xf32>
    %add3A_20 = arith.addf %add3A_14, %add3A_19 : vector<256x2048xf32>
    %reduce_min3A = arith.constant dense<0x7F800000> : vector<256xf32>
    %reduce_min3A_21 = vector.multi_reduction <minimumf>, %add3A_20, %reduce_min3A [1] : vector<256x2048xf32> to vector<256xf32>
    %broadcast_in_dim3A_22 = vector.shape_cast %reduce_min3A_21 : vector<256xf32> to vector<256x1xf32>
    %eq3A = vector.broadcast %broadcast_in_dim3A_22 : vector<256x1xf32> to vector<256x2048xf32>
    %eq3A_23 = arith.cmpf oeq, %add3A_20, %eq3A : vector<256x2048xf32>
    %jit3A = arith.constant 3.400000e+38 : f32
    %broadcast_in_dim3A_24 = vector.broadcast %jit3A : f32 to vector<256x2048xf32>
    %select_n3A = arith.select %eq3A_23, %broadcast_in_dim3A_24, %add3A_20 : vector<256x2048xi1>, vector<256x2048xf32>
    %reduce_min3A_25 = arith.constant dense<0x7F800000> : vector<256xf32>
    %reduce_min3A_26 = vector.multi_reduction <minimumf>, %select_n3A, %reduce_min3A_25 [1] : vector<256x2048xf32> to vector<256xf32>
    %broadcast_in_dim3A_27 = vector.shape_cast %reduce_min3A_26 : vector<256xf32> to vector<256x1xf32>
    %eq3A_28 = vector.broadcast %broadcast_in_dim3A_27 : vector<256x1xf32> to vector<256x2048xf32>
    %eq3A_29 = arith.cmpf oeq, %select_n3A, %eq3A_28 : vector<256x2048xf32>
    %jit3A_30 = arith.constant 3.400000e+38 : f32
    %broadcast_in_dim3A_31 = vector.broadcast %jit3A_30 : f32 to vector<256x2048xf32>
    %select_n3A_32 = arith.select %eq3A_29, %broadcast_in_dim3A_31, %select_n3A : vector<256x2048xi1>, vector<256x2048xf32>
    %reduce_min3A_33 = arith.constant dense<0x7F800000> : vector<256xf32>
    %reduce_min3A_34 = vector.multi_reduction <minimumf>, %select_n3A_32, %reduce_min3A_33 [1] : vector<256x2048xf32> to vector<256xf32>
    %broadcast_in_dim3A_35 = vector.shape_cast %reduce_min3A_34 : vector<256xf32> to vector<256x1xf32>
    %iota3A = tpu.iota {dimensions = array<i32: 1>} : vector<256x2048xi32>
    %eq3A_36 = vector.broadcast %broadcast_in_dim3A_22 : vector<256x1xf32> to vector<256x2048xf32>
    %eq3A_37 = arith.cmpf oeq, %add3A_20, %eq3A_36 : vector<256x2048xf32>
    %jit3A_38 = arith.constant 2048 : i32
    %broadcast_in_dim3A_39 = vector.broadcast %jit3A_38 : i32 to vector<256x2048xi32>
    %select_n3A_40 = arith.select %eq3A_37, %iota3A, %broadcast_in_dim3A_39 : vector<256x2048xi1>, vector<256x2048xi32>
    %reduce_min3A_41 = arith.constant dense<2147483647> : vector<256xi32>
    %reduce_min3A_42 = vector.multi_reduction <minsi>, %select_n3A_40, %reduce_min3A_41 [1] : vector<256x2048xi32> to vector<256xi32>
    %broadcast_in_dim3A_43 = vector.shape_cast %reduce_min3A_42 : vector<256xi32> to vector<256x1xi32>
    %eq3A_44 = vector.broadcast %broadcast_in_dim3A_27 : vector<256x1xf32> to vector<256x2048xf32>
    %eq3A_45 = arith.cmpf oeq, %add3A_20, %eq3A_44 : vector<256x2048xf32>
    %jit3A_46 = arith.constant 2048 : i32
    %broadcast_in_dim3A_47 = vector.broadcast %jit3A_46 : i32 to vector<256x2048xi32>
    %select_n3A_48 = arith.select %eq3A_45, %iota3A, %broadcast_in_dim3A_47 : vector<256x2048xi1>, vector<256x2048xi32>
    %reduce_min3A_49 = arith.constant dense<2147483647> : vector<256xi32>
    %reduce_min3A_50 = vector.multi_reduction <minsi>, %select_n3A_48, %reduce_min3A_49 [1] : vector<256x2048xi32> to vector<256xi32>
    %broadcast_in_dim3A_51 = vector.shape_cast %reduce_min3A_50 : vector<256xi32> to vector<256x1xi32>
    %eq3A_52 = vector.broadcast %broadcast_in_dim3A_35 : vector<256x1xf32> to vector<256x2048xf32>
    %eq3A_53 = arith.cmpf oeq, %add3A_20, %eq3A_52 : vector<256x2048xf32>
    %jit3A_54 = arith.constant 2048 : i32
    %broadcast_in_dim3A_55 = vector.broadcast %jit3A_54 : i32 to vector<256x2048xi32>
    %select_n3A_56 = arith.select %eq3A_53, %iota3A, %broadcast_in_dim3A_55 : vector<256x2048xi1>, vector<256x2048xi32>
    %reduce_min3A_57 = arith.constant dense<2147483647> : vector<256xi32>
    %reduce_min3A_58 = vector.multi_reduction <minsi>, %select_n3A_56, %reduce_min3A_57 [1] : vector<256x2048xi32> to vector<256xi32>
    %broadcast_in_dim3A_59 = vector.shape_cast %reduce_min3A_58 : vector<256xi32> to vector<256x1xi32>
    %add3A_60 = arith.constant 9.99999993E-9 : f32
    %add3A_61 = vector.broadcast %add3A_60 : f32 to vector<256x1xf32>
    %add3A_62 = arith.addf %broadcast_in_dim3A_22, %add3A_61 : vector<256x1xf32>
    %div3A = arith.constant 1.000000e+00 : f32
    %div3A_63 = vector.broadcast %div3A : f32 to vector<256x1xf32>
    %div3A_64 = arith.divf %div3A_63, %add3A_62 : vector<256x1xf32>
    %add3A_65 = arith.constant 9.99999993E-9 : f32
    %add3A_66 = vector.broadcast %add3A_65 : f32 to vector<256x1xf32>
    %add3A_67 = arith.addf %broadcast_in_dim3A_27, %add3A_66 : vector<256x1xf32>
    %div3A_68 = arith.constant 1.000000e+00 : f32
    %div3A_69 = vector.broadcast %div3A_68 : f32 to vector<256x1xf32>
    %div3A_70 = arith.divf %div3A_69, %add3A_67 : vector<256x1xf32>
    %add3A_71 = arith.constant 9.99999993E-9 : f32
    %add3A_72 = vector.broadcast %add3A_71 : f32 to vector<256x1xf32>
    %add3A_73 = arith.addf %broadcast_in_dim3A_35, %add3A_72 : vector<256x1xf32>
    %div3A_74 = arith.constant 1.000000e+00 : f32
    %div3A_75 = vector.broadcast %div3A_74 : f32 to vector<256x1xf32>
    %div3A_76 = arith.divf %div3A_75, %add3A_73 : vector<256x1xf32>
    %add3A_77 = arith.addf %div3A_64, %div3A_70 : vector<256x1xf32>
    %add3A_78 = arith.addf %add3A_77, %div3A_76 : vector<256x1xf32>
    %mul3A_79 = arith.constant 2048 : i32
    %mul3A_80 = arith.muli %arg0, %mul3A_79 : i32
    %concatenate3A = tpu.concatenate %broadcast_in_dim3A_43, %broadcast_in_dim3A_51, %broadcast_in_dim3A_59 in 1 : vector<256x1xi32>, vector<256x1xi32>, vector<256x1xi32> -> vector<256x3xi32>
    %add3A_81 = vector.broadcast %mul3A_80 : i32 to vector<256x3xi32>
    %add3A_82 = arith.addi %concatenate3A, %add3A_81 : vector<256x3xi32>
    %swap3A = arith.constant 0 : index
    %swap3A_83 = arith.constant 0 : index
    %swap3A_84 = arith.constant 0 : index
    %swap3A_85 = vector.load %arg4[%swap3A, %swap3A_83, %swap3A_84] : memref<1x256x3xi32, #tpu.memory_space<vmem>>, vector<1x256x3xi32>
    %swap3A_86 = vector.shape_cast %swap3A_85 : vector<1x256x3xi32> to vector<256x3xi32>
    %swap3A_87 = vector.shape_cast %add3A_82 : vector<256x3xi32> to vector<1x256x3xi32>
    tpu.vector_store %arg4[%swap3A, %swap3A_83, %swap3A_84], %swap3A_87 {strides = array<i32>} : memref<1x256x3xi32, #tpu.memory_space<vmem>>, vector<1x256x3xi32>,
    %concatenate3A_88 = tpu.concatenate %div3A_64, %div3A_70, %div3A_76 in 1 : vector<256x1xf32>, vector<256x1xf32>, vector<256x1xf32> -> vector<256x3xf32>
    %div3A_89 = vector.broadcast %add3A_78 : vector<256x1xf32> to vector<256x3xf32>
    %div3A_90 = arith.divf %concatenate3A_88, %div3A_89 : vector<256x3xf32>
    %swap3A_91 = arith.constant 0 : index
    %swap3A_92 = arith.constant 0 : index
    %swap3A_93 = arith.constant 0 : index
    %swap3A_94 = vector.load %arg5[%swap3A_91, %swap3A_92, %swap3A_93] : memref<1x256x3xf32, #tpu.memory_space<vmem>>, vector<1x256x3xf32>
    %swap3A_95 = vector.shape_cast %swap3A_94 : vector<1x256x3xf32> to vector<256x3xf32>
    %swap3A_96 = vector.shape_cast %div3A_90 : vector<256x3xf32> to vector<1x256x3xf32>
    tpu.vector_store %arg5[%swap3A_91, %swap3A_92, %swap3A_93], %swap3A_96 {strides = array<i32>} : memref<1x256x3xf32, #tpu.memory_space<vmem>>, vector<1x256x3xf32>,
    return
  }
  func.func @transform_0(%arg0: i32, %arg1: i32) -> (i32, i32, i32) {
    %c0_i32 = arith.constant 0 : i32
    %c0_i32_0 = arith.constant 0 : i32
    return %arg0, %arg1, %c0_i32 : i32, i32, i32
  }
  func.func @transform_1(%arg0: i32, %arg1: i32) -> (i32, i32, i32) {
    %c0_i32 = arith.constant 0 : i32
    %c0_i32_0 = arith.constant 0 : i32
    %c0_i32_1 = arith.constant 0 : i32
    return %arg0, %c0_i32, %c0_i32_0 : i32, i32, i32
  }
  func.func @transform_2(%arg0: i32, %arg1: i32) -> (i32, i32, i32) {
    %c0_i32 = arith.constant 0 : i32
    %c0_i32_0 = arith.constant 0 : i32
    return %arg0, %arg1, %c0_i32 : i32, i32, i32
  }
  func.func @transform_3(%arg0: i32, %arg1: i32) -> (i32, i32, i32) {
    %c0_i32 = arith.constant 0 : i32
    %c0_i32_0 = arith.constant 0 : i32
    return %arg0, %arg1, %c0_i32 : i32, i32, i32
  }
}

module attributes {stable_mosaic.version = 14 : i64} {
  func.func @_mlp_kernel(%arg0: i32, %arg1: i32, %arg2: memref<1x128x512xf32, #tpu.memory_space<vmem>>, %arg3: memref<1x512x256xf32, #tpu.memory_space<vmem>>, %arg4: memref<128x384xf32, #tpu.memory_space<vmem>>, %arg5: memref<1x128x512xf32, #tpu.memory_space<vmem>>, %arg6: memref<128x128xf32, #tpu.memory_space<vmem>>) attributes {dimension_semantics = [#tpu.dimension_semantics<arbitrary>, #tpu.dimension_semantics<arbitrary>], iteration_bounds = array<i64: 4, 16>, scalar_prefetch = 0 : i64, scratch_operands = 0 : i64, tpu.core_type = #tpu.core_type<tc>, window_params = [{transform_indices = @transform_0, window_bounds = array<i64: 1, 128, 512>}, {transform_indices = @transform_1, window_bounds = array<i64: 1, 512, 256>}, {pipeline_mode = #tpu.pipeline_mode<synchronous>, transform_indices = @transform_2, window_bounds = array<i64: 128, 384>}, {transform_indices = @transform_3, window_bounds = array<i64: 1, 128, 512>}, {pipeline_mode = #tpu.pipeline_mode<synchronous>, transform_indices = @transform_4, window_bounds = array<i64: 128, 128>}]} {
    %get3A = arith.constant 0 : index
    %get3A_0 = arith.constant 0 : index
    %get3A_1 = arith.constant 0 : index
    %get3A_2 = vector.load %arg2[%get3A, %get3A_0, %get3A_1] : memref<1x128x512xf32, #tpu.memory_space<vmem>>, vector<1x128x512xf32>
    %get3A_3 = vector.shape_cast %get3A_2 : vector<1x128x512xf32> to vector<128x512xf32>
    %get3A_4 = arith.constant 0 : index
    %get3A_5 = arith.constant 0 : index
    %get3A_6 = arith.constant 0 : index
    %get3A_7 = vector.load %arg3[%get3A_4, %get3A_5, %get3A_6] : memref<1x512x256xf32, #tpu.memory_space<vmem>>, vector<1x512x256xf32>
    %get3A_8 = vector.shape_cast %get3A_7 : vector<1x512x256xf32> to vector<512x256xf32>
    %get3A_9 = arith.constant 0 : index
    %get3A_10 = arith.constant 0 : index
    %get3A_11 = vector.load %arg4[%get3A_9, %get3A_10] : memref<128x384xf32, #tpu.memory_space<vmem>>, vector<128x128xf32>
    %get3A_12 = arith.constant 0 : index
    %get3A_13 = arith.constant 128 : index
    %get3A_14 = vector.load %arg4[%get3A_12, %get3A_13] : memref<128x384xf32, #tpu.memory_space<vmem>>, vector<128x256xf32>
    %dot_general3A = arith.constant dense<0.000000e+00> : vector<128x512xf32>
    %dot_general3A_15 = tpu.matmul %get3A_11, %get3A_3, %dot_general3A {dimension_numbers = #tpu.dot_dimension_numbers<[1], [0], [0], [1], [0, 0, 1, 1], [], []>, transpose_lhs_hint = false} : vector<128x128xf32>, vector<128x512xf32>, vector<128x512xf32> -> vector<128x512xf32>
    %dot_general3A_16 = arith.constant dense<0.000000e+00> : vector<128x512xf32>
    %dot_general3A_17 = tpu.matmul %get3A_14, %get3A_8, %dot_general3A_16 {dimension_numbers = #tpu.dot_dimension_numbers<[1], [1], [0], [0], [0, 0, 1, 0], [], []>, transpose_lhs_hint = false} : vector<128x256xf32>, vector<512x256xf32>, vector<128x512xf32> -> vector<128x512xf32>
    %add3A = arith.addf %dot_general3A_15, %dot_general3A_17 : vector<128x512xf32>
    %swap3A = arith.constant 0 : index
    %swap3A_18 = arith.constant 0 : index
    %swap3A_19 = arith.constant 0 : index
    %swap3A_20 = vector.load %arg5[%swap3A, %swap3A_18, %swap3A_19] : memref<1x128x512xf32, #tpu.memory_space<vmem>>, vector<1x128x512xf32>
    %swap3A_21 = vector.shape_cast %swap3A_20 : vector<1x128x512xf32> to vector<128x512xf32>
    %swap3A_22 = vector.shape_cast %add3A : vector<128x512xf32> to vector<1x128x512xf32>
    tpu.vector_store %arg5[%swap3A, %swap3A_18, %swap3A_19], %swap3A_22 {strides = array<i32>} : memref<1x128x512xf32, #tpu.memory_space<vmem>>, vector<1x128x512xf32>,
    %eq3A = arith.constant 0 : i32
    %eq3A_23 = arith.cmpi eq, %arg0, %eq3A : i32
    %eq3A_24 = arith.constant 0 : i32
    %eq3A_25 = arith.cmpi eq, %arg1, %eq3A_24 : i32
    %and3A = arith.andi %eq3A_23, %eq3A_25 : i1
    %convert_element_type3A = arith.extui %and3A : i1 to i32
    %cond3A = arith.constant 0 : i32
    %cond3A_26 = arith.cmpi ne, %convert_element_type3A, %cond3A : i32
    scf.if %cond3A_26 {
      %broadcast_in_dim3A_40 = arith.constant 0.000000e+00 : f32
      %broadcast_in_dim3A_41 = vector.broadcast %broadcast_in_dim3A_40 : f32 to vector<128x128xf32>
      %swap3A_42 = arith.constant 0 : index
      %swap3A_43 = arith.constant 0 : index
      %swap3A_44 = vector.load %arg6[%swap3A_42, %swap3A_43] : memref<128x128xf32, #tpu.memory_space<vmem>>, vector<128x128xf32>
      tpu.vector_store %arg6[%swap3A_42, %swap3A_43], %broadcast_in_dim3A_41 {strides = array<i32>} : memref<128x128xf32, #tpu.memory_space<vmem>>, vector<128x128xf32>,
    } else {
    }
    %reduce_sum3A = arith.constant dense<0.000000e+00> : vector<128xf32>
    %reduce_sum3A_27 = vector.multi_reduction <add>, %add3A, %reduce_sum3A [1] : vector<128x512xf32> to vector<128xf32>
    %broadcast_in_dim3A = vector.shape_cast %reduce_sum3A_27 : vector<128xf32> to vector<128x1xf32>
    %mul3A = arith.mulf %add3A, %add3A : vector<128x512xf32>
    %reduce_sum3A_28 = arith.constant dense<0.000000e+00> : vector<128xf32>
    %reduce_sum3A_29 = vector.multi_reduction <add>, %mul3A, %reduce_sum3A_28 [1] : vector<128x512xf32> to vector<128xf32>
    %broadcast_in_dim3A_30 = vector.shape_cast %reduce_sum3A_29 : vector<128xf32> to vector<128x1xf32>
    %broadcast_in_dim3A_31 = arith.constant 0.000000e+00 : f32
    %broadcast_in_dim3A_32 = vector.broadcast %broadcast_in_dim3A_31 : f32 to vector<128x126xf32>
    %get3A_33 = arith.constant 0 : index
    %get3A_34 = arith.constant 0 : index
    %get3A_35 = vector.load %arg6[%get3A_33, %get3A_34] : memref<128x128xf32, #tpu.memory_space<vmem>>, vector<128x128xf32>
    %concatenate3A = tpu.concatenate %broadcast_in_dim3A, %broadcast_in_dim3A_30, %broadcast_in_dim3A_32 in 1 : vector<128x1xf32>, vector<128x1xf32>, vector<128x126xf32> -> vector<128x128xf32>
    %add3A_36 = arith.addf %get3A_35, %concatenate3A : vector<128x128xf32>
    %swap3A_37 = arith.constant 0 : index
    %swap3A_38 = arith.constant 0 : index
    %swap3A_39 = vector.load %arg6[%swap3A_37, %swap3A_38] : memref<128x128xf32, #tpu.memory_space<vmem>>, vector<128x128xf32>
    tpu.vector_store %arg6[%swap3A_37, %swap3A_38], %add3A_36 {strides = array<i32>} : memref<128x128xf32, #tpu.memory_space<vmem>>, vector<128x128xf32>,
    return
  }
  func.func @transform_0(%arg0: i32, %arg1: i32) -> (i32, i32, i32) {
    %c0_i32 = arith.constant 0 : i32
    %c0_i32_0 = arith.constant 0 : i32
    return %arg0, %c0_i32, %arg1 : i32, i32, i32
  }
  func.func @transform_1(%arg0: i32, %arg1: i32) -> (i32, i32, i32) {
    %c0_i32 = arith.constant 0 : i32
    %c0_i32_0 = arith.constant 0 : i32
    return %arg0, %arg1, %c0_i32 : i32, i32, i32
  }
  func.func @transform_2(%arg0: i32, %arg1: i32) -> (i32, i32) {
    %c0_i32 = arith.constant 0 : i32
    %c0_i32_0 = arith.constant 0 : i32
    %c0_i32_1 = arith.constant 0 : i32
    return %c0_i32, %c0_i32_0 : i32, i32
  }
  func.func @transform_3(%arg0: i32, %arg1: i32) -> (i32, i32, i32) {
    %c0_i32 = arith.constant 0 : i32
    %c0_i32_0 = arith.constant 0 : i32
    return %arg0, %c0_i32, %arg1 : i32, i32, i32
  }
  func.func @transform_4(%arg0: i32, %arg1: i32) -> (i32, i32) {
    %c0_i32 = arith.constant 0 : i32
    %c0_i32_0 = arith.constant 0 : i32
    %c0_i32_1 = arith.constant 0 : i32
    return %c0_i32, %c0_i32_0 : i32, i32
  }
}

module attributes {stable_mosaic.version = 14 : i64} {
  func.func @_bn_kernel(%arg0: i32, %arg1: i32, %arg2: memref<1x128x2048xf32, #tpu.memory_space<vmem>>, %arg3: memref<128x128xf32, #tpu.memory_space<vmem>>, %arg4: memref<128x128xf32, #tpu.memory_space<vmem>>, %arg5: memref<1x128x2048xf32, #tpu.memory_space<vmem>>) attributes {dimension_semantics = [#tpu.dimension_semantics<arbitrary>, #tpu.dimension_semantics<arbitrary>], iteration_bounds = array<i64: 4, 4>, scalar_prefetch = 0 : i64, scratch_operands = 0 : i64, tpu.core_type = #tpu.core_type<tc>, window_params = [{transform_indices = @transform_0, window_bounds = array<i64: 1, 128, 2048>}, {pipeline_mode = #tpu.pipeline_mode<synchronous>, transform_indices = @transform_1, window_bounds = array<i64: 128, 128>}, {pipeline_mode = #tpu.pipeline_mode<synchronous>, transform_indices = @transform_2, window_bounds = array<i64: 128, 128>}, {transform_indices = @transform_3, window_bounds = array<i64: 1, 128, 2048>}]} {
    %get3A = arith.constant 0 : index
    %get3A_0 = arith.constant 0 : index
    %get3A_1 = vector.load %arg3[%get3A, %get3A_0] : memref<128x128xf32, #tpu.memory_space<vmem>>, vector<128x1xf32>
    %div3A = arith.constant 3.276800e+04 : f32
    %div3A_2 = vector.broadcast %div3A : f32 to vector<128x1xf32>
    %div3A_3 = arith.divf %get3A_1, %div3A_2 : vector<128x1xf32>
    %get3A_4 = arith.constant 0 : index
    %get3A_5 = arith.constant 1 : index
    %get3A_6 = vector.load %arg3[%get3A_4, %get3A_5] : memref<128x128xf32, #tpu.memory_space<vmem>>, vector<128x1xf32>
    %div3A_7 = arith.constant 3.276800e+04 : f32
    %div3A_8 = vector.broadcast %div3A_7 : f32 to vector<128x1xf32>
    %div3A_9 = arith.divf %get3A_6, %div3A_8 : vector<128x1xf32>
    %mul3A = arith.mulf %div3A_3, %div3A_3 : vector<128x1xf32>
    %sub3A = arith.subf %div3A_9, %mul3A : vector<128x1xf32>
    %add3A = arith.constant 9.99999974E-6 : f32
    %add3A_10 = vector.broadcast %add3A : f32 to vector<128x1xf32>
    %add3A_11 = arith.addf %sub3A, %add3A_10 : vector<128x1xf32>
    %rsqrt3A = math.rsqrt %add3A_11 : vector<128x1xf32>
    %get3A_12 = arith.constant 0 : index
    %get3A_13 = arith.constant 0 : index
    %get3A_14 = vector.load %arg4[%get3A_12, %get3A_13] : memref<128x128xf32, #tpu.memory_space<vmem>>, vector<128x1xf32>
    %get3A_15 = arith.constant 0 : index
    %get3A_16 = arith.constant 1 : index
    %get3A_17 = vector.load %arg4[%get3A_15, %get3A_16] : memref<128x128xf32, #tpu.memory_space<vmem>>, vector<128x1xf32>
    %get3A_18 = arith.constant 0 : index
    %get3A_19 = arith.constant 0 : index
    %get3A_20 = arith.constant 0 : index
    %get3A_21 = vector.load %arg2[%get3A_18, %get3A_19, %get3A_20] : memref<1x128x2048xf32, #tpu.memory_space<vmem>>, vector<1x128x2048xf32>
    %get3A_22 = vector.shape_cast %get3A_21 : vector<1x128x2048xf32> to vector<128x2048xf32>
    %sub3A_23 = vector.broadcast %div3A_3 : vector<128x1xf32> to vector<128x2048xf32>
    %sub3A_24 = arith.subf %get3A_22, %sub3A_23 : vector<128x2048xf32>
    %mul3A_25 = arith.mulf %rsqrt3A, %get3A_14 : vector<128x1xf32>
    %mul3A_26 = vector.broadcast %mul3A_25 : vector<128x1xf32> to vector<128x2048xf32>
    %mul3A_27 = arith.mulf %sub3A_24, %mul3A_26 : vector<128x2048xf32>
    %add3A_28 = vector.broadcast %get3A_17 : vector<128x1xf32> to vector<128x2048xf32>
    %add3A_29 = arith.addf %mul3A_27, %add3A_28 : vector<128x2048xf32>
    %max3A = arith.constant 0.000000e+00 : f32
    %max3A_30 = vector.broadcast %max3A : f32 to vector<128x2048xf32>
    %max3A_31 = arith.maximumf %add3A_29, %max3A_30 : vector<128x2048xf32>
    %swap3A = arith.constant 0 : index
    %swap3A_32 = arith.constant 0 : index
    %swap3A_33 = arith.constant 0 : index
    %swap3A_34 = vector.load %arg5[%swap3A, %swap3A_32, %swap3A_33] : memref<1x128x2048xf32, #tpu.memory_space<vmem>>, vector<1x128x2048xf32>
    %swap3A_35 = vector.shape_cast %swap3A_34 : vector<1x128x2048xf32> to vector<128x2048xf32>
    %swap3A_36 = vector.shape_cast %max3A_31 : vector<128x2048xf32> to vector<1x128x2048xf32>
    tpu.vector_store %arg5[%swap3A, %swap3A_32, %swap3A_33], %swap3A_36 {strides = array<i32>} : memref<1x128x2048xf32, #tpu.memory_space<vmem>>, vector<1x128x2048xf32>,
    return
  }
  func.func @transform_0(%arg0: i32, %arg1: i32) -> (i32, i32, i32) {
    %c0_i32 = arith.constant 0 : i32
    %c0_i32_0 = arith.constant 0 : i32
    return %arg0, %c0_i32, %arg1 : i32, i32, i32
  }
  func.func @transform_1(%arg0: i32, %arg1: i32) -> (i32, i32) {
    %c0_i32 = arith.constant 0 : i32
    %c0_i32_0 = arith.constant 0 : i32
    %c0_i32_1 = arith.constant 0 : i32
    return %c0_i32, %c0_i32_0 : i32, i32
  }
  func.func @transform_2(%arg0: i32, %arg1: i32) -> (i32, i32) {
    %c0_i32 = arith.constant 0 : i32
    %c0_i32_0 = arith.constant 0 : i32
    %c0_i32_1 = arith.constant 0 : i32
    return %c0_i32, %c0_i32_0 : i32, i32
  }
  func.func @transform_3(%arg0: i32, %arg1: i32) -> (i32, i32, i32) {
    %c0_i32 = arith.constant 0 : i32
    %c0_i32_0 = arith.constant 0 : i32
    return %arg0, %c0_i32, %arg1 : i32, i32, i32
  }
}

</mosaic_0001>

<sc_bundles>
// kernel: kernel.6.cloned.1.call-start
scs
__scs_entry_jumppad:
0x0: {  	(pc) =	sbr.rel $0x88, $3  }
0x1: {  	(tag) =	ssettag $0x0;
	lr =	simm.s32 $0x1  }
0x2: {  	[smem:$0x3F9A] =	sst lr;
	_ =	strace $0xD0000000  }
0x3: {  	_ = 	snop  }
0x4: {  	_ = 	snop  }
0x5: {  	_ = 	snop  }
0x6: {  	_ = 	snop  }
0x7: {  	_ = 	snop  }
__scs_overlays_trampoline_lowered:
0x8: {  	[smem:$0x3FA9] =	sst s0  }
0x9: {  	[smem:$0x3FAA] =	sst s1  }
0xa: {  	[smem:$0x3FAB] =	sst s2  }
0xb: {  	[smem:$0x3FAC] =	sst s3  }
0xc: {  	[smem:$0x3FAD] =	sst s4  }
0xd: {  	[smem:$0x3FAE] =	sst s5  }
0xe: {  	[smem:$0x3FAF] =	sst s6  }
0xf: {  	[smem:$0x3FB0] =	sst s7  }
0x10: {  	[smem:$0x3FB1] =	sst s8  }
0x11: {  	[smem:$0x3FB2] =	sst s9;
	s0 =	simm.s32 @!p0 $0x0  }
0x12: {  	s1 =	sld [smem:$0x3F98];
	s0 =	simm.s32 @p0 $0x1  }
0x13: {  	[smem:$0x3FB3] =	sst s0;
	s0 =	simm.s32 @!p1 $0x0  }
0x14: {  	s2 =	sld [smem:$0x3F97];
	s0 =	simm.s32 @p1 $0x1  }
0x15: {  	[smem:$0x3FB4] =	sst s0;
	s0 =	simm.s32 @!p2 $0x0  }
0x16: {  	s3 =	sld [smem:$0x3FDB];
	s0 =	simm.s32 @p2 $0x1  }
0x17: {  	s4 =	simm.s32 $0x1BF5;
	[smem:$0x3FB6] =	sst s0  }
0x18: {  	s0 =	sld [smem:$0x3F99];
	_ =	swait.ge [sflag:s4], $0x0  }
0x19: {  	s7 =	sld [smem:$0x3F9A]  }
0x1a: {  	s8 =	sadd.s32 $0xFFFFE003, lr  }
0x1b: {  	s9 =	sadd.s32 $0xFFFFFEF7, lr;
	s5 =	simm.s32 $0xFFFFFFFF;
	p2 =	slt.u32 s8, $0xFFFFF086  }
0x1c: {  	p1 =	slt.u32 s9, $0xF7A;
	s5 =	simm.s32 @!p2 $0x0  }
0x1d: {  	s5 =	simm.s32 @p1 $0x1;
	p0 =	seq.s32 s7, s2  }
0x1e: {  	s7 =	smul.u32 @!p0 $0xF7A, s2;
	p2 =	seq.s32 @!p0 s5, $0x0  }
0x1f: {  	s9 =	smul.u32 $0xF7A, s1;
	s8 =	simm.s32 @!p0 $0x1BF5;
	p2 =	por !p2, p0  }
0x20: {  	[sflag:s8] =	ssyncset.s32 @!p0 $0xFFFFF086;
	s6 =	sadd.s32 @!p0 s3, s7;
	s7 =	simm.s32 @!p0 $0x108  }
0x21: {  	s3 =	sadd.s32 s3, s9;
	s6 =	sadd.s32 @!p0 $0x88, s6;
	s7 =	simm.s32 @p2 $0x1082  }
0x22: {  	[simem:s7], [sflag:s8] =	dma.local @!p0 [hbm:s6], $0xF7A  }
0x23: {  	s9 =	sor.u32 $0xD0000000, s2;
	s6 =	simm.s32 $0x108;
	_ =	swait.ge @!p0 [sflag:s8], $0x0  }
0x24: {  	s3 =	sadd.s32 $0x88, s3;
	s6 =	simm.s32 @!p1 $0x1082;
	[sflag:s4] =	ssyncset.s32 $0xFFFFF086  }
0x25: {  	[simem:s6], [sflag:s4] =	dma.local [hbm:s3], $0xF7A  }
0x26: {  	[smem:$0x3F9A] =	sst s1;
	(tag) =	ssettag s2;
	_ =	strace s9  }
0x27: {  	s1 =	sld [smem:$0x3FAA]  }
0x28: {  	s2 =	sld [smem:$0x3FAB]  }
0x29: {  	s4 =	sld [smem:$0x3FAD]  }
0x2a: {  	p0 =	seq.s32 s5, $0x0;
	s5 =	sld [smem:$0x3FAE]  }
0x2b: {  	s6 =	sld [smem:$0x3FAF]  }
0x2c: {  	s7 =	sld [smem:$0x3FB0]  }
0x2d: {  	s3 =	simm.s32 $0x108;
	s8 =	sld [smem:$0x3FB1]  }
0x2e: {  	s3 =	simm.s32 @!p0 $0x1082;
	s9 =	sld [smem:$0x3FB2]  }
0x2f: {  	lr =	sadd.s32 s0, s3;
	s0 =	sld [smem:$0x3FA9]  }
0x30: {  	s3 =	sld [smem:$0x3FAC]  }
0x31: {  	[smem:$0x3FB5] =	sst s10  }
0x32: {  	s10 =	sld [smem:$0x3FB3];
	_ =	sdelay $0x3  }
0x33: {  	p0 =	seq.s32 s10, $0x1;
	s10 =	sld [smem:$0x3FB5];
	_ =	sdelay $0x3  }
0x34: {  	[smem:$0x3FB5] =	sst s10  }
0x35: {  	s10 =	sld [smem:$0x3FB4];
	_ =	sdelay $0x3  }
0x36: {  	p1 =	seq.s32 s10, $0x1;
	s10 =	sld [smem:$0x3FB5];
	_ =	sdelay $0x3  }
0x37: {  	[smem:$0x3FB5] =	sst s10  }
0x38: {  	s10 =	sld [smem:$0x3FB6]  }
0x39: {  	_ = 	snop;
	(pc) =	sbr.ind lr, $3  }
0x3a: {  	_ = 	snop  }
0x3b: {  	_ = 	snop  }
0x3c: {  	p2 =	seq.s32 s10, $0x1;
	s10 =	sld [smem:$0x3FB5]  }
0x3d: {  	_ =	shalt  }
0x3e: {  	_ =	shalt  }
0x3f: {  	_ =	shalt  }
0x40: {  	_ =	shalt  }
0x41: {  	_ =	shalt  }
0x42: {  	_ =	shalt  }
0x43: {  	_ =	shalt  }
0x44: {  	_ =	shalt  }
0x45: {  	_ =	shalt  }
0x46: {  	_ =	shalt  }
0x47: {  	_ =	shalt  }
0x48: {  	_ =	shalt  }
0x49: {  	_ =	shalt  }
0x4a: {  	_ =	shalt  }
0x4b: {  	_ =	shalt  }
0x4c: {  	_ =	shalt  }
0x4d: {  	_ =	shalt  }
0x4e: {  	_ =	shalt  }
0x4f: {  	_ =	shalt  }
0x50: {  	_ =	shalt  }
0x51: {  	_ =	shalt  }
0x52: {  	_ =	shalt  }
0x53: {  	_ =	shalt  }
0x54: {  	_ =	shalt  }
0x55: {  	_ =	shalt  }
0x56: {  	_ =	shalt  }
0x57: {  	_ =	shalt  }
0x58: {  	_ =	shalt  }
0x59: {  	_ =	shalt  }
0x5a: {  	_ =	shalt  }
0x5b: {  	_ =	shalt  }
0x5c: {  	_ =	shalt  }
0x5d: {  	_ =	shalt  }
0x5e: {  	_ =	shalt  }
0x5f: {  	_ =	shalt  }
0x60: {  	_ =	shalt  }
0x61: {  	_ =	shalt  }
0x62: {  	_ =	shalt  }
0x63: {  	_ =	shalt  }
0x64: {  	_ =	shalt  }
0x65: {  	_ =	shalt  }
0x66: {  	_ =	shalt  }
0x67: {  	_ =	shalt  }
0x68: {  	_ =	shalt  }
0x69: {  	_ =	shalt  }
0x6a: {  	_ =	shalt  }
0x6b: {  	_ =	shalt  }
0x6c: {  	_ =	shalt  }
0x6d: {  	_ =	shalt  }
0x6e: {  	_ =	shalt  }
0x6f: {  	_ =	shalt  }
0x70: {  	_ =	shalt  }
0x71: {  	_ =	shalt  }
0x72: {  	_ =	shalt  }
0x73: {  	_ =	shalt  }
0x74: {  	_ =	shalt  }
0x75: {  	_ =	shalt  }
0x76: {  	_ =	shalt  }
0x77: {  	_ =	shalt  }
0x78: {  	_ =	shalt  }
0x79: {  	_ =	shalt  }
0x7a: {  	_ =	shalt  }
0x7b: {  	_ =	shalt  }
0x7c: {  	_ =	shalt  }
0x7d: {  	_ =	shalt  }
0x7e: {  	_ =	shalt  }
0x7f: {  	_ =	shalt  }
0x80: {  	_ =	shalt  }
0x81: {  	_ =	shalt  }
0x82: {  	_ =	shalt  }
0x83: {  	_ =	shalt  }
0x84: {  	_ =	shalt  }
0x85: {  	_ =	shalt  }
0x86: {  	_ =	shalt  }
0x87: {  	_ =	shalt  }
.Lfunc_end0:
.L_simem_size_0:
called_computation_lowered:
.L_overlay_start_0:
0x88: {  	s2 =	sld [smem:$0x3FD9]  }
0x89: {  	s3 =	sld [smem:$0x3FFE];
	_ =	sdelay $0x1  }
0x8a: {  	s1 =	srdreg.scid  }
0x8b: {  	s0 =	sand.u32 $0x1, s1  }
0x8c: {  	s17 =	sshll.u32 s0, $0xA;
	s2 =	sadd.s32 s3, s2  }
0x8d: {  	s2 =	sadd.s32 s2, s17  }
0x8e: {  	[smem:$0x3FC1] =	sst s2  }
0x8f: {  	_ = 	snop  }
0x90: {  	s2 =	sld [smem:$0x3FD0];
	(tm) =	ssettm $0x1  }
0x91: {  	s18 =	sld [smem:$0x3FFB];
	_ =	sdelay $0x3  }
0x92: {  	_ =	strace s18  }
0x93: {  	s3 =	sld [smem:$0x3FFC];
	_ =	sdelay $0x3  }
0x94: {  	_ =	strace s3  }
0x95: {  	s3 =	sld [smem:$0x3FFD];
	_ =	sdelay $0x3  }
0x96: {  	_ =	strace s3  }
0x97: {  	_ =	strace $0x8FFFFFFF  }
0x98: {  	s19 =	sld [smem:$0x3FDB];
	_ =	sdelay $0x1  }
0x99: {  	s4 =	simm.s32 $_scs_section_size  }
0x9a: {  	s5 =	simm.s32 $_size__tile_overlayer_lowered;
	s6 =	simm.s32 $_tile_overlayer_lowered  }
0x9b: {  	s22 =	simm.s32 $0x1BFF;
	s21 =	sshll.u32 s6, $0x1;
	s3 =	sadd.s32 s4, s19  }
0x9c: {  	s7 =	simm.s32 $0x0;
	s20 =	sshll.u32 s5, $0x1;
	s5 =	sadd.s32 s21, s3  }
0x9d: {  	[timem:s7], [sflag:s22] =	dma.local [hbm:s5], s20  }
0x9e: {  	_ =	swait.ge [sflag:s22], s20  }
0x9f: {  	s4 =	ssub.s32 $0x0, s20;
	[sflag:s22] =	ssyncset.done $0x0  }
0xa0: {  	[sflag:s22] =	ssyncadd.s32 s4;
	_ =	sdelay $0x1  }
0xa1: {  	s23 =	simm.s32 $0x1B8B  }
0xa2: {  	_ =	swait.ge [sflag:s23], $0x1  }
0xa3: {  	[sflag:s23] =	ssyncset.done $0x0  }
0xa4: {  	s25 =	simm.s32 $0x1B8E;
	s24 =	sld [smem:$0x3FFE];
	[sflag:s23] =	ssyncadd.s32 $0xFFFFFFFF  }
0xa5: {  	s26 =	simm.s32 $execute0_lowered;
	[smem:$0x3FD2] =	sst s25  }
0xa6: {  	s5 =	sshll.u32 s26, $0x1;
	_ =	strace $0x80000046;
	[dreg:$0x1] =	wrdreg $0xFFFFFFFF  }
0xa7: {  	s28 =	simm.s32 $_size_execute0_lowered;
	s3 =	sadd.s32 s3, s5;
	[dreg:$0x0] =	wrdreg $0x0  }
0xa8: {  	s5 =	sshll.u32 s28, $0x1;
	[dreg:$0x2] =	wrdreg s3  }
0xa9: {  	[dreg:$0x3] =	wrdreg s5  }
0xaa: {  	[dreg:$0x4] =	wrdreg $0xC0  }
0xab: {  	_ =	task [dreg:s7], $0x5FFFF  }
0xac: {  	[dreg:$0x1] =	wrdreg $0xFFFFFFFF  }
0xad: {  	[dreg:$0x0] =	wrdreg $0x60  }
0xae: {  	[dreg:$0x2] =	wrdreg s24  }
0xaf: {  	[dreg:$0x3] =	wrdreg s2  }
0xb0: {  	[dreg:$0x4] =	wrdreg $0x9  }
0xb1: {  	_ =	task.clear_ibuf [dreg:s7], $0x5FFFF;
	_ =	strace $0x90000046  }
0xb2: {  	s29 =	simm.s32 $0x9;
	_ =	strace $0x80000048  }
0xb3: {  	_ =	swait.ge [sflag:s29], $0x1  }
0xb4: {  	[sflag:s29] =	ssyncadd.s32 $0xFFFFFFFF  }
0xb5: {  	_ =	strace $0x90000048  }
0xb6: {  	_ =	sfence  }
0xb7: {  	s30 =	sld [smem:$0x0];
	_ =	sdelay $0x2  }
0xb8: {  	s31 =	sshll.u32 s1, $0xD;
	s1 =	sshrl.u32 s1, $0x2  }
0xb9: {  	s3 =	sand.u32 $0x4000, s31;
	s1 =	sadd.s32 s1, s30  }
0xba: {  	s0 =	sor.u32 s3, s0;
	s1 =	sshll.u32 s1, $0x11  }
0xbb: {  	s0 =	sor.u32 s1, s0  }
0xbc: {  	s0 =	sadd.s32 $0x8F2B, s0  }
0xbd: {  	[sflag:s0] =	ssyncadd.remote.s32 $0x1  }
0xbe: {  	_ =	sfence.sel $0xFFFF  }
0xbf: {  	[dreg:$0x0] =	wrdreg $0xFFFFFFFF;
	(pc) =	sbr.abs _section_cstart, $3  }
0xc0: {  	[dreg:$0x1] =	wrdreg $0xFFFFFFFF  }
0xc1: {  	_ =	task.clear_ibuf [dreg:s7], $0x2FFFF;
	_ =	strace $0x9FFFFFFF  }
0xc2: {  	(tm) =	ssettm $0x7FFFFFFF  }
0xc3: {  	_ =	shalt  }
tec
execute0_lowered:
.L_overlay_start_1:
0x0: {  	(tag) =	ssettag $0x1  }
0x1: {  	s0 =	srdreg.scid;
	s2 =	stileid.u32  }
0x2: {  	s1 =	rddreg [dreg:$0x0];
	s12 =	simm.s32 $0x5;
	s26 =	simm.s32 $0x1  }
0x3: {  	s28 =	simm.s32 $0x3;
	s18 =	simm.s32 $0x12C00;
	s19 =	simm.s32 $0x6  }
0x4: {  	s20 =	simm.s32 $0x2;
	s21 =	simm.s32 $0x4;
	s0 =	sand.u32 $0x1, s0  }
0x5: {  	s3 =	sshll.u32 s2, $0x1;
	s2 =	rddreg [dreg:$0x1];
	s5 =	sadd.s32 $0x184200, s1  }
0x6: {  	s10 =	sadd.s32 $0x184600, s1;
	s7 =	sor.u32 s0, s3;
	s0 =	ssub.s32 $0x2, s0  }
0x7: {  	s3 =	simm.s32 $0x0;
	s4 =	smul.u32 $0x180, s7;
	s6 =	sshrl.u32 s0, $0x1  }
0x8: {  	[smem:$0x7FF] =	sst s3;
	s9 =	smul.u32 $0xC000, s7;
	s0 =	ssub.s32 s0, s6  }
0x9: {  	_ =	strace $0x80000047;
	s8 =	sadd.s32 s4, s1;
	s0 =	smax.u32 s0, $0x1  }
0xa: {  	v2 =	vlaneseq.u32;
	s4 =	sadd.s32 $0x4200, s1;
	s8 =	sadd.s32 $0x1200, s8;
	[dreg:$0x5] =	wrdreg s0  }
0xb: {  	vm0 =	vmmov $0xffff;
	v1 =	vshrl.u32 v2, $0x3;
	s6 =	sshll.u32 s7, $0xA;
	s31 =	sadd.s32 s4, s9;
	[dreg:$0x3] =	wrdreg s8  }
0xc: {  	v0 =	vand.u32 $0x7, v2;
	v2 =	vor.u32 $0x8, v2;
	v1 =	vmul.u32 $0x8, v1;
	s1 =	simm.s32 $0x0;
	s9 =	sshll.u32 s7, $0xF;
	[dreg:$0x4] =	wrdreg s31  }
.LBB2_1:
0xd: {  	[dreg:$0x6] =	wrdreg s1  }
0xe: {  	s0 =	rddreg [dreg:$0x3]  }
0xf: {  	[tilespmem:s3], [sflag:$0x5] =	stream.linear.gather [hbm4b:s0+s3], $0xC00, $0x38;
	[tilespmem:$0x14C00] =	vst v63  }
0x10: {  	_ =	swait.ge [sflag:s12], $0xC00  }
0x11: {  	[sflag:s12] =	ssyncset.done $0x0  }
0x12: {  	[sflag:s12] =	ssyncadd.s32 $0xFFFFF400  }
0x13: {  	v3 =	vld [tilespmem:$0x0];
	_ =	sdelay $0x4  }
0x14: {  	v4 =	vshll.u32 v3, $0x1  }
0x15: {  	v3 =	vand.u32 $0x7, v3;
	v4 =	vand.u32 $0xFFFFFFF0, v4  }
0x16: {  	v3 =	vor.u32 v3, v4  }
0x17: {  	v4 =	vperm.xlane v3, v0;
	_ =	sdelay $0x1  }
0x18: {  	v3 =	vperm.xlane v3, v2;
	v4 =	vadd.s32 v1, v4;
	_ =	sdelay $0x1  }
0x19: {  	v3 =	vadd.s32 v1, v3;
	_ =	sdelay $0x1  }
0x1a: {  	s8 =	simm.s32 $0x6C00  }
0x1b: {  	[tilespmem:s8], [sflag:$0x1] =	stream.indirect_vreg.gather [hbm4b:s2+s3], $0x80, v4, vm0, $0xb8;
	[tilespmem:$0x14C00] =	vst v63  }
0x1c: {  	s11 =	simm.s32 $0x7400  }
0x1d: {  	[tilespmem:s11], [sflag:$0x1] =	stream.indirect_vreg.gather [hbm4b:s2+s3], $0x80, v3, vm0, $0xb8;
	[tilespmem:$0x14C00] =	vst v63  }
0x1e: {  	v3 =	vld [tilespmem:$0x10];
	_ =	sdelay $0x4  }
0x1f: {  	v59 =	vshll.u32 v3, $0x1  }
0x20: {  	v3 =	vand.u32 $0x7, v3;
	v4 =	vand.u32 $0xFFFFFFF0, v59  }
0x21: {  	v3 =	vor.u32 v3, v4  }
0x22: {  	v4 =	vperm.xlane v3, v0;
	_ =	sdelay $0x1  }
0x23: {  	v3 =	vperm.xlane v3, v2;
	v4 =	vadd.s32 v1, v4;
	_ =	sdelay $0x1  }
0x24: {  	v3 =	vadd.s32 v1, v3;
	_ =	sdelay $0x1  }
0x25: {  	s13 =	simm.s32 $0x7C00  }
0x26: {  	[tilespmem:s13], [sflag:$0x1] =	stream.indirect_vreg.gather [hbm4b:s2+s3], $0x80, v4, vm0, $0xb8;
	[tilespmem:$0x14C00] =	vst v63  }
0x27: {  	s14 =	simm.s32 $0x8400  }
0x28: {  	[tilespmem:s14], [sflag:$0x1] =	stream.indirect_vreg.gather [hbm4b:s2+s3], $0x80, v3, vm0, $0xb8;
	[tilespmem:$0x14C00] =	vst v63  }
0x29: {  	v3 =	vld [tilespmem:$0x20];
	_ =	sdelay $0x4  }
0x2a: {  	v60 =	vshll.u32 v3, $0x1  }
0x2b: {  	v3 =	vand.u32 $0x7, v3;
	v4 =	vand.u32 $0xFFFFFFF0, v60  }
0x2c: {  	v3 =	vor.u32 v3, v4  }
0x2d: {  	v4 =	vperm.xlane v3, v0;
	_ =	sdelay $0x1  }
0x2e: {  	v3 =	vperm.xlane v3, v2;
	v4 =	vadd.s32 v1, v4;
	_ =	sdelay $0x1  }
0x2f: {  	v3 =	vadd.s32 v1, v3;
	_ =	sdelay $0x1  }
0x30: {  	s15 =	simm.s32 $0x8C00  }
0x31: {  	[tilespmem:s15], [sflag:$0x1] =	stream.indirect_vreg.gather [hbm4b:s2+s3], $0x80, v4, vm0, $0xb8;
	[tilespmem:$0x14C00] =	vst v63  }
0x32: {  	s16 =	simm.s32 $0x9400  }
0x33: {  	[tilespmem:s16], [sflag:$0x1] =	stream.indirect_vreg.gather [hbm4b:s2+s3], $0x80, v3, vm0, $0xb8;
	[tilespmem:$0x14C00] =	vst v63  }
0x34: {  	v3 =	vld [tilespmem:$0x30];
	_ =	sdelay $0x4  }
0x35: {  	v61 =	vshll.u32 v3, $0x1  }
0x36: {  	v3 =	vand.u32 $0x7, v3;
	v4 =	vand.u32 $0xFFFFFFF0, v61  }
0x37: {  	v3 =	vor.u32 v3, v4  }
0x38: {  	v4 =	vperm.xlane v3, v0;
	_ =	sdelay $0x1  }
0x39: {  	v3 =	vperm.xlane v3, v2;
	v4 =	vadd.s32 v1, v4;
	_ =	sdelay $0x1  }
0x3a: {  	v3 =	vadd.s32 v1, v3;
	_ =	sdelay $0x1  }
0x3b: {  	s17 =	simm.s32 $0x9C00  }
0x3c: {  	[tilespmem:s17], [sflag:$0x1] =	stream.indirect_vreg.gather [hbm4b:s2+s3], $0x80, v4, vm0, $0xb8;
	[tilespmem:$0x14C00] =	vst v63  }
0x3d: {  	s22 =	simm.s32 $0xA400  }
0x3e: {  	[tilespmem:s22], [sflag:$0x1] =	stream.indirect_vreg.gather [hbm4b:s2+s3], $0x80, v3, vm0, $0xb8;
	[tilespmem:$0x14C00] =	vst v63  }
0x3f: {  	v3 =	vld [tilespmem:$0x40];
	_ =	sdelay $0x4  }
0x40: {  	v62 =	vshll.u32 v3, $0x1  }
0x41: {  	v3 =	vand.u32 $0x7, v3;
	v4 =	vand.u32 $0xFFFFFFF0, v62  }
0x42: {  	v3 =	vor.u32 v3, v4  }
0x43: {  	v4 =	vperm.xlane v3, v0;
	_ =	sdelay $0x1  }
0x44: {  	v3 =	vperm.xlane v3, v2;
	v4 =	vadd.s32 v1, v4;
	_ =	sdelay $0x1  }
0x45: {  	v3 =	vadd.s32 v1, v3;
	_ =	sdelay $0x1  }
0x46: {  	s23 =	simm.s32 $0xAC00  }
0x47: {  	[tilespmem:s23], [sflag:$0x1] =	stream.indirect_vreg.gather [hbm4b:s2+s3], $0x80, v4, vm0, $0xb8;
	[tilespmem:$0x14C00] =	vst v63  }
0x48: {  	s24 =	simm.s32 $0xB400  }
0x49: {  	[tilespmem:s24], [sflag:$0x1] =	stream.indirect_vreg.gather [hbm4b:s2+s3], $0x80, v3, vm0, $0xb8;
	[tilespmem:$0x14C00] =	vst v63  }
0x4a: {  	v3 =	vld [tilespmem:$0x50];
	_ =	sdelay $0x4  }
0x4b: {  	v63 =	vshll.u32 v3, $0x1  }
0x4c: {  	v3 =	vand.u32 $0x7, v3;
	v4 =	vand.u32 $0xFFFFFFF0, v63  }
0x4d: {  	v3 =	vor.u32 v3, v4  }
0x4e: {  	v4 =	vperm.xlane v3, v0;
	_ =	sdelay $0x1  }
0x4f: {  	v3 =	vperm.xlane v3, v2;
	v4 =	vadd.s32 v1, v4;
	_ =	sdelay $0x1  }
0x50: {  	v3 =	vadd.s32 v1, v3;
	_ =	sdelay $0x1  }
0x51: {  	s25 =	simm.s32 $0xBC00  }
0x52: {  	[tilespmem:s25], [sflag:$0x1] =	stream.indirect_vreg.gather [hbm4b:s2+s3], $0x80, v4, vm0, $0xb8;
	[tilespmem:$0x14C00] =	vst v63  }
0x53: {  	s29 =	simm.s32 $0xC400  }
0x54: {  	[tilespmem:s29], [sflag:$0x1] =	stream.indirect_vreg.gather [hbm4b:s2+s3], $0x80, v3, vm0, $0xb8;
	[tilespmem:$0x14C00] =	vst v63  }
0x55: {  	s31 =	simm.s32 $0xC00;
	s30 =	rddreg [dreg:$0x4];
	s22 =	simm.s32 $0x0  }
0x56: {  	[tilespmem:s31], [sflag:$0x3] =	stream.linear.gather [hbm4b:s30+s3], $0x3000, $0x38;
	[tilespmem:$0x14C00] =	vst v63  }
.LBB2_2:
0x57: {  	_ =	swait.ge [sflag:s26], $0x6000  }
0x58: {  	[sflag:s26] =	ssyncset.done $0x0  }
0x59: {  	s0 =	sshllo.u32 s22, $0x1;
	[sflag:s26] =	ssyncadd.s32 $0xFFFFA000  }
0x5a: {  	s1 =	smul.u32 $0x180, s0;
	_ =	swait.ge [sflag:s28], $0x3000  }
0x5b: {  	[sflag:s28] =	ssyncset.done $0x0  }
0x5c: {  	s1 =	sshra.s32 s1, $0x2;
	[sflag:s28] =	ssyncadd.s32 $0xFFFFD000  }
0x5d: {  	v3 =	vld [tilespmem:s1+$0x0];
	_ =	sdelay $0x4  }
0x5e: {  	v4 =	vshll.u32 v3, $0x1  }
0x5f: {  	v3 =	vand.u32 $0x7, v3;
	v4 =	vand.u32 $0xFFFFFFF0, v4  }
0x60: {  	v3 =	vor.u32 v3, v4  }
0x61: {  	v4 =	vperm.xlane v3, v0;
	_ =	sdelay $0x1  }
0x62: {  	v3 =	vperm.xlane v3, v2;
	v4 =	vadd.s32 v1, v4;
	_ =	sdelay $0x1  }
0x63: {  	v3 =	vadd.s32 v1, v3;
	_ =	sdelay $0x1  }
0x64: {  	s23 =	simm.s32 $0x0;
	s7 =	simm.s32 $0xCC00  }
0x65: {  	[tilespmem:s7], [sflag:$0x2] =	stream.indirect_vreg.gather [hbm4b:s2+s23], $0x80, v4, vm0, $0xb8;
	[tilespmem:$0x14C00] =	vst v63  }
0x66: {  	s14 =	simm.s32 $0xD400  }
0x67: {  	[tilespmem:s14], [sflag:$0x2] =	stream.indirect_vreg.gather [hbm4b:s2+s23], $0x80, v3, vm0, $0xb8;
	[tilespmem:$0x14C00] =	vst v63  }
0x68: {  	v3 =	vld [tilespmem:s1+$0x10];
	_ =	sdelay $0x4  }
0x69: {  	v4 =	vshll.u32 v3, $0x1  }
0x6a: {  	v3 =	vand.u32 $0x7, v3;
	v4 =	vand.u32 $0xFFFFFFF0, v4  }
0x6b: {  	v3 =	vor.u32 v3, v4  }
0x6c: {  	v4 =	vperm.xlane v3, v0;
	_ =	sdelay $0x1  }
0x6d: {  	v3 =	vperm.xlane v3, v2;
	v4 =	vadd.s32 v1, v4;
	_ =	sdelay $0x1  }
0x6e: {  	v3 =	vadd.s32 v1, v3;
	_ =	sdelay $0x1  }
0x6f: {  	s15 =	simm.s32 $0xDC00  }
0x70: {  	[tilespmem:s15], [sflag:$0x2] =	stream.indirect_vreg.gather [hbm4b:s2+s23], $0x80, v4, vm0, $0xb8;
	[tilespmem:$0x14C00] =	vst v63  }
0x71: {  	s16 =	simm.s32 $0xE400  }
0x72: {  	[tilespmem:s16], [sflag:$0x2] =	stream.indirect_vreg.gather [hbm4b:s2+s23], $0x80, v3, vm0, $0xb8;
	[tilespmem:$0x14C00] =	vst v63  }
0x73: {  	v3 =	vld [tilespmem:s1+$0x20];
	_ =	sdelay $0x4  }
0x74: {  	v4 =	vshll.u32 v3, $0x1  }
0x75: {  	v3 =	vand.u32 $0x7, v3;
	v4 =	vand.u32 $0xFFFFFFF0, v4  }
0x76: {  	v3 =	vor.u32 v3, v4  }
0x77: {  	v4 =	vperm.xlane v3, v0;
	_ =	sdelay $0x1  }
0x78: {  	v3 =	vperm.xlane v3, v2;
	v4 =	vadd.s32 v1, v4;
	_ =	sdelay $0x1  }
0x79: {  	v3 =	vadd.s32 v1, v3;
	_ =	sdelay $0x1  }
0x7a: {  	s17 =	simm.s32 $0xEC00  }
0x7b: {  	[tilespmem:s17], [sflag:$0x2] =	stream.indirect_vreg.gather [hbm4b:s2+s23], $0x80, v4, vm0, $0xb8;
	[tilespmem:$0x14C00] =	vst v63  }
0x7c: {  	s24 =	simm.s32 $0xF400  }
0x7d: {  	[tilespmem:s24], [sflag:$0x2] =	stream.indirect_vreg.gather [hbm4b:s2+s23], $0x80, v3, vm0, $0xb8;
	[tilespmem:$0x14C00] =	vst v63  }
0x7e: {  	v3 =	vld [tilespmem:s1+$0x30];
	_ =	sdelay $0x4  }
0x7f: {  	v4 =	vshll.u32 v3, $0x1  }
0x80: {  	v3 =	vand.u32 $0x7, v3;
	v4 =	vand.u32 $0xFFFFFFF0, v4  }
0x81: {  	v3 =	vor.u32 v3, v4  }
0x82: {  	v4 =	vperm.xlane v3, v0;
	_ =	sdelay $0x1  }
0x83: {  	v3 =	vperm.xlane v3, v2;
	v4 =	vadd.s32 v1, v4;
	_ =	sdelay $0x1  }
0x84: {  	v3 =	vadd.s32 v1, v3;
	_ =	sdelay $0x1  }
0x85: {  	s25 =	simm.s32 $0xFC00  }
0x86: {  	[tilespmem:s25], [sflag:$0x2] =	stream.indirect_vreg.gather [hbm4b:s2+s23], $0x80, v4, vm0, $0xb8;
	[tilespmem:$0x14C00] =	vst v63  }
0x87: {  	s8 =	simm.s32 $0x10400  }
0x88: {  	[tilespmem:s8], [sflag:$0x2] =	stream.indirect_vreg.gather [hbm4b:s2+s23], $0x80, v3, vm0, $0xb8;
	[tilespmem:$0x14C00] =	vst v63  }
0x89: {  	v3 =	vld [tilespmem:s1+$0x40];
	_ =	sdelay $0x4  }
0x8a: {  	v4 =	vshll.u32 v3, $0x1  }
0x8b: {  	v3 =	vand.u32 $0x7, v3;
	v4 =	vand.u32 $0xFFFFFFF0, v4  }
0x8c: {  	v3 =	vor.u32 v3, v4  }
0x8d: {  	v4 =	vperm.xlane v3, v0;
	_ =	sdelay $0x1  }
0x8e: {  	v3 =	vperm.xlane v3, v2;
	v4 =	vadd.s32 v1, v4;
	_ =	sdelay $0x1  }
0x8f: {  	v3 =	vadd.s32 v1, v3;
	_ =	sdelay $0x1  }
0x90: {  	s11 =	simm.s32 $0x10C00  }
0x91: {  	[tilespmem:s11], [sflag:$0x2] =	stream.indirect_vreg.gather [hbm4b:s2+s23], $0x80, v4, vm0, $0xb8;
	[tilespmem:$0x14C00] =	vst v63  }
0x92: {  	s13 =	simm.s32 $0x11400  }
0x93: {  	[tilespmem:s13], [sflag:$0x2] =	stream.indirect_vreg.gather [hbm4b:s2+s23], $0x80, v3, vm0, $0xb8;
	[tilespmem:$0x14C00] =	vst v63  }
0x94: {  	v3 =	vld [tilespmem:s1+$0x50];
	_ =	sdelay $0x4  }
0x95: {  	v4 =	vshll.u32 v3, $0x1  }
0x96: {  	v3 =	vand.u32 $0x7, v3;
	v4 =	vand.u32 $0xFFFFFFF0, v4  }
0x97: {  	v3 =	vor.u32 v3, v4  }
0x98: {  	v4 =	vperm.xlane v3, v0;
	_ =	sdelay $0x1  }
0x99: {  	s0 =	sshll.u32 s0, $0x5;
	v3 =	vperm.xlane v3, v2;
	v4 =	vadd.s32 v1, v4  }
0x9a: {  	s0 =	sadd.s32 s6, s0  }
0x9b: {  	s0 =	smul.u32 $0x30, s0;
	v3 =	vadd.s32 v1, v3;
	_ =	sdelay $0x1  }
0x9c: {  	s0 =	sadd.s32 s4, s0;
	s14 =	simm.s32 $0x11C00;
	s15 =	simm.s32 $0x12400  }
0x9d: {  	[tilespmem:s14], [sflag:$0x2] =	stream.indirect_vreg.gather [hbm4b:s2+s23], $0x80, v4, vm0, $0xb8;
	[tilespmem:$0x14C00] =	vst v63  }
0x9e: {  	s16 =	simm.s32 $0x3C00;
	s17 =	simm.s32 $0xD00;
	s24 =	simm.s32 $0x80  }
0x9f: {  	[tilespmem:s15], [sflag:$0x2] =	stream.indirect_vreg.gather [hbm4b:s2+s23], $0x80, v3, vm0, $0xb8;
	[tilespmem:$0x14C00] =	vst v63  }
0xa0: {  	s8 =	simm.s32 $0x100;
	s11 =	sand.u32 $0x7800, s23;
	s13 =	sand.u32 $0x380, s23  }
0xa1: {  	[tilespmem:s16], [sflag:$0x4] =	stream.linear.gather [hbm4b:s0+s23], $0x3000, $0x38;
	[tilespmem:$0x14C00] =	vst v63  }
0xa2: {  	s24 =	sand.u32 $0x380, s24;
	s8 =	sand.u32 $0xF800, s8;
	s25 =	sor.u32 s13, s11;
	v3 =	vld [tilespmem:s17+$0xFFFFFF80]  }
0xa3: {  	s24 =	sor.u32 s24, s8;
	s14 =	simm.s32 $0x200;
	s15 =	simm.s32 $0x100;
	v6 =	vld [tilespmem:s25+$0x6C00]  }
0xa4: {  	s1 =	sand.u32 $0xF800, s14;
	s7 =	sand.u32 $0x380, s15;
	v7 =	vld [tilespmem:s24+$0x6C00]  }
0xa5: {  	s29 =	sor.u32 s7, s1;
	v4 =	vld [tilespmem:s17+$0xFFFFFF00]  }
0xa6: {  	v8 =	vld [tilespmem:s29+$0x6C00]  }
0xa7: {  	v5 =	vld [tilespmem:s17+$0x0];
	_ =	sdelay $0x2  }
0xa8: {  	v6 =	vmul.f32 v6, v4;
	v7 =	vmul.f32 v7, v3;
	_ =	sdelay $0x1  }
0xa9: {  	v6 =	vadd.f32 v7, v6;
	v7 =	vmul.f32 v8, v5;
	_ =	sdelay $0x1  }
0xaa: {  	s16 =	sand.u32 $0x1800, s23;
	s17 =	sand.u32 $0x380, s23;
	v6 =	vadd.f32 v7, v6  }
0xab: {  	s0 =	sor.u32 s17, s16  }
0xac: {  	[tilespmem:s0+$0x12C00] =	vst v6  }
0xad: {  	v6 =	vld [tilespmem:s25+$0x6C10]  }
0xae: {  	v7 =	vld [tilespmem:s24+$0x6C10];
	_ =	sdelay $0x1  }
0xaf: {  	v8 =	vld [tilespmem:s29+$0x6C10];
	_ =	sdelay $0x2  }
0xb0: {  	v6 =	vmul.f32 v6, v4;
	v7 =	vmul.f32 v7, v3;
	_ =	sdelay $0x1  }
0xb1: {  	v6 =	vadd.f32 v7, v6;
	v7 =	vmul.f32 v8, v5;
	_ =	sdelay $0x1  }
0xb2: {  	v6 =	vadd.f32 v7, v6  }
0xb3: {  	s30 =	sadd.s32 $0x12C00, s0  }
0xb4: {  	[tilespmem:s30+$0x10] =	vst v6  }
0xb5: {  	v6 =	vld [tilespmem:s25+$0x6C20]  }
0xb6: {  	v7 =	vld [tilespmem:s24+$0x6C20];
	_ =	sdelay $0x1  }
0xb7: {  	v8 =	vld [tilespmem:s29+$0x6C20];
	_ =	sdelay $0x2  }
0xb8: {  	v6 =	vmul.f32 v6, v4;
	v7 =	vmul.f32 v7, v3;
	_ =	sdelay $0x1  }
0xb9: {  	v6 =	vadd.f32 v7, v6;
	v7 =	vmul.f32 v8, v5;
	_ =	sdelay $0x1  }
0xba: {  	v6 =	vadd.f32 v7, v6;
	_ =	sdelay $0x1  }
0xbb: {  	[tilespmem:s30+$0x20] =	vst v6  }
0xbc: {  	v6 =	vld [tilespmem:s25+$0x6C30]  }
0xbd: {  	v7 =	vld [tilespmem:s24+$0x6C30];
	_ =	sdelay $0x1  }
0xbe: {  	v8 =	vld [tilespmem:s29+$0x6C30];
	_ =	sdelay $0x2  }
0xbf: {  	v6 =	vmul.f32 v6, v4;
	v7 =	vmul.f32 v7, v3;
	_ =	sdelay $0x1  }
0xc0: {  	v8 =	vmul.f32 v8, v5;
	v6 =	vadd.f32 v7, v6;
	_ =	sdelay $0x1  }
0xc1: {  	v6 =	vadd.f32 v8, v6;
	_ =	sdelay $0x1  }
0xc2: {  	[tilespmem:s30+$0x30] =	vst v6  }
0xc3: {  	v6 =	vld [tilespmem:s25+$0x6C40]  }
0xc4: {  	v7 =	vld [tilespmem:s24+$0x6C40];
	_ =	sdelay $0x1  }
0xc5: {  	v8 =	vld [tilespmem:s29+$0x6C40];
	_ =	sdelay $0x2  }
0xc6: {  	v6 =	vmul.f32 v6, v4;
	v7 =	vmul.f32 v7, v3;
	_ =	sdelay $0x1  }
0xc7: {  	v8 =	vmul.f32 v8, v5;
	v6 =	vadd.f32 v7, v6;
	_ =	sdelay $0x1  }
0xc8: {  	v6 =	vadd.f32 v8, v6;
	_ =	sdelay $0x1  }
0xc9: {  	[tilespmem:s30+$0x40] =	vst v6  }
0xca: {  	v6 =	vld [tilespmem:s24+$0x6C50]  }
0xcb: {  	v7 =	vld [tilespmem:s25+$0x6C50];
	_ =	sdelay $0x1  }
0xcc: {  	v8 =	vld [tilespmem:s29+$0x6C50];
	_ =	sdelay $0x2  }
0xcd: {  	v6 =	vmul.f32 v6, v3;
	v7 =	vmul.f32 v7, v4;
	_ =	sdelay $0x1  }
0xce: {  	v8 =	vmul.f32 v8, v5;
	v6 =	vadd.f32 v6, v7;
	_ =	sdelay $0x1  }
0xcf: {  	v6 =	vadd.f32 v8, v6;
	_ =	sdelay $0x1  }
0xd0: {  	[tilespmem:s30+$0x50] =	vst v6  }
0xd1: {  	v6 =	vld [tilespmem:s25+$0x6C60]  }
0xd2: {  	v7 =	vld [tilespmem:s24+$0x6C60];
	_ =	sdelay $0x1  }
0xd3: {  	v8 =	vld [tilespmem:s29+$0x6C60];
	_ =	sdelay $0x2  }
0xd4: {  	v6 =	vmul.f32 v6, v4;
	v7 =	vmul.f32 v7, v3;
	_ =	sdelay $0x1  }
0xd5: {  	v8 =	vmul.f32 v8, v5;
	v6 =	vadd.f32 v7, v6;
	_ =	sdelay $0x1  }
0xd6: {  	v6 =	vadd.f32 v8, v6;
	_ =	sdelay $0x1  }
0xd7: {  	[tilespmem:s30+$0x60] =	vst v6  }
0xd8: {  	v6 =	vld [tilespmem:s25+$0x6C70]  }
0xd9: {  	v7 =	vld [tilespmem:s24+$0x6C70];
	_ =	sdelay $0x1  }
0xda: {  	v8 =	vld [tilespmem:s29+$0x6C70];
	_ =	sdelay $0x2  }
0xdb: {  	v6 =	vmul.f32 v6, v4;
	v7 =	vmul.f32 v7, v3;
	_ =	sdelay $0x1  }
0xdc: {  	v8 =	vmul.f32 v8, v5;
	v6 =	vadd.f32 v7, v6;
	_ =	sdelay $0x1  }
0xdd: {  	v6 =	vadd.f32 v8, v6;
	_ =	sdelay $0x1  }
0xde: {  	[tilespmem:s30+$0x70] =	vst v6  }
0xdf: {  	v6 =	vld [tilespmem:s25+$0x7000]  }
0xe0: {  	v7 =	vld [tilespmem:s24+$0x7000];
	_ =	sdelay $0x1  }
0xe1: {  	v8 =	vld [tilespmem:s29+$0x7000];
	_ =	sdelay $0x2  }
0xe2: {  	v6 =	vmul.f32 v6, v4;
	v7 =	vmul.f32 v7, v3;
	_ =	sdelay $0x1  }
0xe3: {  	v8 =	vmul.f32 v8, v5;
	v6 =	vadd.f32 v7, v6;
	_ =	sdelay $0x1  }
0xe4: {  	v6 =	vadd.f32 v8, v6;
	_ =	sdelay $0x1  }
0xe5: {  	[tilespmem:s30+$0x400] =	vst v6  }
0xe6: {  	v6 =	vld [tilespmem:s25+$0x7010]  }
0xe7: {  	v7 =	vld [tilespmem:s24+$0x7010];
	_ =	sdelay $0x1  }
0xe8: {  	v8 =	vld [tilespmem:s29+$0x7010];
	_ =	sdelay $0x2  }
0xe9: {  	v6 =	vmul.f32 v6, v4;
	v7 =	vmul.f32 v7, v3;
	_ =	sdelay $0x1  }
0xea: {  	v6 =	vadd.f32 v7, v6;
	v7 =	vmul.f32 v8, v5;
	_ =	sdelay $0x1  }
0xeb: {  	v6 =	vadd.f32 v7, v6;
	_ =	sdelay $0x1  }
0xec: {  	[tilespmem:s30+$0x410] =	vst v6  }
0xed: {  	v6 =	vld [tilespmem:s25+$0x7020]  }
0xee: {  	v7 =	vld [tilespmem:s24+$0x7020];
	_ =	sdelay $0x1  }
0xef: {  	v8 =	vld [tilespmem:s29+$0x7020];
	_ =	sdelay $0x2  }
0xf0: {  	v6 =	vmul.f32 v6, v4;
	v7 =	vmul.f32 v7, v3;
	_ =	sdelay $0x1  }
0xf1: {  	v8 =	vmul.f32 v8, v5;
	v6 =	vadd.f32 v7, v6;
	_ =	sdelay $0x1  }
0xf2: {  	v6 =	vadd.f32 v8, v6;
	_ =	sdelay $0x1  }
0xf3: {  	[tilespmem:s30+$0x420] =	vst v6  }
0xf4: {  	v6 =	vld [tilespmem:s25+$0x7030]  }
0xf5: {  	v7 =	vld [tilespmem:s24+$0x7030];
	_ =	sdelay $0x1  }
0xf6: {  	v8 =	vld [tilespmem:s29+$0x7030];
	_ =	sdelay $0x2  }
0xf7: {  	v6 =	vmul.f32 v6, v4;
	v7 =	vmul.f32 v7, v3;
	_ =	sdelay $0x1  }
0xf8: {  	v8 =	vmul.f32 v8, v5;
	v6 =	vadd.f32 v7, v6;
	_ =	sdelay $0x1  }
0xf9: {  	v6 =	vadd.f32 v8, v6;
	_ =	sdelay $0x1  }
0xfa: {  	[tilespmem:s30+$0x430] =	vst v6  }
0xfb: {  	v6 =	vld [tilespmem:s25+$0x7040]  }
0xfc: {  	v7 =	vld [tilespmem:s24+$0x7040];
	_ =	sdelay $0x1  }
0xfd: {  	v8 =	vld [tilespmem:s29+$0x7040];
	_ =	sdelay $0x2  }
0xfe: {  	v6 =	vmul.f32 v6, v4;
	v7 =	vmul.f32 v7, v3;
	_ =	sdelay $0x1  }
0xff: {  	v8 =	vmul.f32 v8, v5;
	v6 =	vadd.f32 v7, v6;
	_ =	sdelay $0x1  }
0x100: {  	v6 =	vadd.f32 v8, v6;
	_ =	sdelay $0x1  }
0x101: {  	[tilespmem:s30+$0x440] =	vst v6  }
0x102: {  	v6 =	vld [tilespmem:s24+$0x7050]  }
0x103: {  	v7 =	vld [tilespmem:s25+$0x7050];
	_ =	sdelay $0x1  }
0x104: {  	v8 =	vld [tilespmem:s29+$0x7050];
	_ =	sdelay $0x2  }
0x105: {  	v7 =	vmul.f32 v7, v4;
	v6 =	vmul.f32 v6, v3;
	_ =	sdelay $0x1  }
0x106: {  	s31 =	sshll.u32 s22, $0x1;
	s8 =	simm.s32 $0x0;
	v6 =	vadd.f32 v6, v7;
	v7 =	vmul.f32 v8, v5  }
0x107: {  	s1 =	simm.s32 $0x180;
	s7 =	simm.s32 $0x0;
	s0 =	simm.s32 $0xE80  }
.LBB2_3:
0x108: {  	v6 =	vadd.f32 v7, v6;
	s23 =	sadd.s32 $0x80, s23;
	s7 =	sadd.s32 $0x100, s7;
	s8 =	sadd.s32 $0x300, s8  }
0x109: {  	p0 =	sne.s32 s1, $0x2E80;
	s11 =	smov.u32 s1;
	s1 =	sadd.s32 $0x180, s1  }
0x10a: {  	[tilespmem:s30+$0x450] =	vst v6  }
0x10b: {  	v6 =	vld [tilespmem:s25+$0x7060]  }
0x10c: {  	v7 =	vld [tilespmem:s24+$0x7060]  }
0x10d: {  	v8 =	vld [tilespmem:s29+$0x7060];
	_ =	sdelay $0x2  }
0x10e: {  	v6 =	vmul.f32 v6, v4  }
0x10f: {  	v7 =	vmul.f32 v7, v3  }
0x110: {  	v8 =	vmul.f32 v8, v5  }
0x111: {  	v6 =	vadd.f32 v7, v6;
	_ =	sdelay $0x1  }
0x112: {  	v6 =	vadd.f32 v8, v6  }
0x113: {  	s13 =	sadd.s32 $0x200, s8;
	s14 =	sadd.s32 $0x100, s11  }
0x114: {  	s15 =	sand.u32 $0x7800, s8;
	s16 =	sand.u32 $0x380, s11;
	s14 =	sand.u32 $0x380, s14;
	[tilespmem:s30+$0x460] =	vst v6  }
0x115: {  	s17 =	sadd.s32 $0x100, s8;
	s11 =	sadd.s32 $0x80, s11;
	s13 =	sand.u32 $0xF800, s13;
	v6 =	vld [tilespmem:s25+$0x7070]  }
0x116: {  	s17 =	sand.u32 $0xF800, s17;
	s11 =	sand.u32 $0x380, s11;
	s13 =	sor.u32 s14, s13;
	v7 =	vld [tilespmem:s24+$0x7070]  }
0x117: {  	s25 =	sor.u32 s16, s15;
	s24 =	sor.u32 s11, s17;
	v8 =	vld [tilespmem:s29+$0x7070];
	s29 =	smov.u32 s13  }
0x118: {  	_ =	sdelay $0x1  }
0x119: {  	v4 =	vmul.f32 v6, v4  }
0x11a: {  	v3 =	vmul.f32 v7, v3  }
0x11b: {  	v5 =	vmul.f32 v8, v5  }
0x11c: {  	v3 =	vadd.f32 v3, v4;
	_ =	sdelay $0x1  }
0x11d: {  	v3 =	vadd.f32 v5, v3;
	_ =	sdelay $0x1  }
0x11e: {  	[tilespmem:s30+$0x470] =	vst v3  }
0x11f: {  	v3 =	vld [tilespmem:s0+$0xFFFFFF80]  }
0x120: {  	v6 =	vld [tilespmem:s25+$0x6C00]  }
0x121: {  	v7 =	vld [tilespmem:s24+$0x6C00]  }
0x122: {  	v4 =	vld [tilespmem:s0+$0xFFFFFF00]  }
0x123: {  	v8 =	vld [tilespmem:s29+$0x6C00]  }
0x124: {  	v5 =	vld [tilespmem:s0+$0x0];
	_ =	sdelay $0x2  }
0x125: {  	v7 =	vmul.f32 v7, v3;
	v6 =	vmul.f32 v6, v4;
	_ =	sdelay $0x1  }
0x126: {  	v6 =	vadd.f32 v7, v6;
	v7 =	vmul.f32 v8, v5;
	_ =	sdelay $0x1  }
0x127: {  	s11 =	sand.u32 $0x1800, s7;
	s13 =	sand.u32 $0x380, s23;
	v6 =	vadd.f32 v7, v6  }
0x128: {  	s11 =	sor.u32 s13, s11  }
0x129: {  	[tilespmem:s11+$0x12C00] =	vst v6  }
0x12a: {  	v6 =	vld [tilespmem:s25+$0x6C10]  }
0x12b: {  	v7 =	vld [tilespmem:s24+$0x6C10];
	_ =	sdelay $0x1  }
0x12c: {  	v8 =	vld [tilespmem:s29+$0x6C10];
	_ =	sdelay $0x1  }
0x12d: {  	v6 =	vmul.f32 v6, v4  }
0x12e: {  	v7 =	vmul.f32 v7, v3;
	_ =	sdelay $0x1  }
0x12f: {  	v6 =	vadd.f32 v7, v6;
	v7 =	vmul.f32 v8, v5;
	_ =	sdelay $0x1  }
0x130: {  	v6 =	vadd.f32 v7, v6  }
0x131: {  	s30 =	sadd.s32 $0x12C00, s11  }
0x132: {  	[tilespmem:s30+$0x10] =	vst v6  }
0x133: {  	v6 =	vld [tilespmem:s25+$0x6C20]  }
0x134: {  	v7 =	vld [tilespmem:s24+$0x6C20];
	_ =	sdelay $0x1  }
0x135: {  	v8 =	vld [tilespmem:s29+$0x6C20];
	_ =	sdelay $0x1  }
0x136: {  	v6 =	vmul.f32 v6, v4  }
0x137: {  	v7 =	vmul.f32 v7, v3;
	_ =	sdelay $0x1  }
0x138: {  	v6 =	vadd.f32 v7, v6;
	v7 =	vmul.f32 v8, v5;
	_ =	sdelay $0x1  }
0x139: {  	v6 =	vadd.f32 v7, v6;
	_ =	sdelay $0x1  }
0x13a: {  	[tilespmem:s30+$0x20] =	vst v6  }
0x13b: {  	v6 =	vld [tilespmem:s25+$0x6C30]  }
0x13c: {  	v7 =	vld [tilespmem:s24+$0x6C30]  }
0x13d: {  	v8 =	vld [tilespmem:s29+$0x6C30];
	_ =	sdelay $0x2  }
0x13e: {  	v6 =	vmul.f32 v6, v4  }
0x13f: {  	v7 =	vmul.f32 v7, v3  }
0x140: {  	v8 =	vmul.f32 v8, v5  }
0x141: {  	v6 =	vadd.f32 v7, v6;
	_ =	sdelay $0x1  }
0x142: {  	v6 =	vadd.f32 v8, v6;
	_ =	sdelay $0x1  }
0x143: {  	[tilespmem:s30+$0x30] =	vst v6  }
0x144: {  	v6 =	vld [tilespmem:s25+$0x6C40]  }
0x145: {  	v7 =	vld [tilespmem:s24+$0x6C40]  }
0x146: {  	v8 =	vld [tilespmem:s29+$0x6C40];
	_ =	sdelay $0x2  }
0x147: {  	v6 =	vmul.f32 v6, v4  }
0x148: {  	v7 =	vmul.f32 v7, v3  }
0x149: {  	v8 =	vmul.f32 v8, v5  }
0x14a: {  	v6 =	vadd.f32 v7, v6;
	_ =	sdelay $0x1  }
0x14b: {  	v6 =	vadd.f32 v8, v6;
	_ =	sdelay $0x1  }
0x14c: {  	[tilespmem:s30+$0x40] =	vst v6  }
0x14d: {  	v6 =	vld [tilespmem:s24+$0x6C50]  }
0x14e: {  	v7 =	vld [tilespmem:s25+$0x6C50]  }
0x14f: {  	v8 =	vld [tilespmem:s29+$0x6C50];
	_ =	sdelay $0x2  }
0x150: {  	v6 =	vmul.f32 v6, v3  }
0x151: {  	v7 =	vmul.f32 v7, v4  }
0x152: {  	v8 =	vmul.f32 v8, v5  }
0x153: {  	v6 =	vadd.f32 v6, v7;
	_ =	sdelay $0x1  }
0x154: {  	v6 =	vadd.f32 v8, v6;
	_ =	sdelay $0x1  }
0x155: {  	[tilespmem:s30+$0x50] =	vst v6  }
0x156: {  	v6 =	vld [tilespmem:s25+$0x6C60]  }
0x157: {  	v7 =	vld [tilespmem:s24+$0x6C60]  }
0x158: {  	v8 =	vld [tilespmem:s29+$0x6C60];
	_ =	sdelay $0x2  }
0x159: {  	v6 =	vmul.f32 v6, v4  }
0x15a: {  	v7 =	vmul.f32 v7, v3  }
0x15b: {  	v8 =	vmul.f32 v8, v5  }
0x15c: {  	v6 =	vadd.f32 v7, v6;
	_ =	sdelay $0x1  }
0x15d: {  	v6 =	vadd.f32 v8, v6;
	_ =	sdelay $0x1  }
0x15e: {  	[tilespmem:s30+$0x60] =	vst v6  }
0x15f: {  	v6 =	vld [tilespmem:s25+$0x6C70]  }
0x160: {  	v7 =	vld [tilespmem:s24+$0x6C70]  }
0x161: {  	v8 =	vld [tilespmem:s29+$0x6C70];
	_ =	sdelay $0x2  }
0x162: {  	v6 =	vmul.f32 v6, v4  }
0x163: {  	v7 =	vmul.f32 v7, v3  }
0x164: {  	v8 =	vmul.f32 v8, v5  }
0x165: {  	v6 =	vadd.f32 v7, v6;
	_ =	sdelay $0x1  }
0x166: {  	v6 =	vadd.f32 v8, v6;
	_ =	sdelay $0x1  }
0x167: {  	[tilespmem:s30+$0x70] =	vst v6  }
0x168: {  	v6 =	vld [tilespmem:s25+$0x7000]  }
0x169: {  	v7 =	vld [tilespmem:s24+$0x7000]  }
0x16a: {  	v8 =	vld [tilespmem:s29+$0x7000];
	_ =	sdelay $0x2  }
0x16b: {  	v6 =	vmul.f32 v6, v4  }
0x16c: {  	v7 =	vmul.f32 v7, v3  }
0x16d: {  	v8 =	vmul.f32 v8, v5  }
0x16e: {  	v6 =	vadd.f32 v7, v6;
	_ =	sdelay $0x1  }
0x16f: {  	v6 =	vadd.f32 v8, v6;
	_ =	sdelay $0x1  }
0x170: {  	[tilespmem:s30+$0x400] =	vst v6  }
0x171: {  	v6 =	vld [tilespmem:s25+$0x7010]  }
0x172: {  	v7 =	vld [tilespmem:s24+$0x7010]  }
0x173: {  	v8 =	vld [tilespmem:s29+$0x7010];
	_ =	sdelay $0x2  }
0x174: {  	v6 =	vmul.f32 v6, v4  }
0x175: {  	v7 =	vmul.f32 v7, v3;
	_ =	sdelay $0x1  }
0x176: {  	v6 =	vadd.f32 v7, v6;
	v7 =	vmul.f32 v8, v5;
	_ =	sdelay $0x1  }
0x177: {  	v6 =	vadd.f32 v7, v6;
	_ =	sdelay $0x1  }
0x178: {  	[tilespmem:s30+$0x410] =	vst v6  }
0x179: {  	v6 =	vld [tilespmem:s25+$0x7020]  }
0x17a: {  	v7 =	vld [tilespmem:s24+$0x7020]  }
0x17b: {  	v8 =	vld [tilespmem:s29+$0x7020];
	_ =	sdelay $0x2  }
0x17c: {  	v6 =	vmul.f32 v6, v4  }
0x17d: {  	v7 =	vmul.f32 v7, v3  }
0x17e: {  	v8 =	vmul.f32 v8, v5  }
0x17f: {  	v6 =	vadd.f32 v7, v6;
	_ =	sdelay $0x1  }
0x180: {  	v6 =	vadd.f32 v8, v6;
	_ =	sdelay $0x1  }
0x181: {  	[tilespmem:s30+$0x420] =	vst v6  }
0x182: {  	v6 =	vld [tilespmem:s25+$0x7030]  }
0x183: {  	v7 =	vld [tilespmem:s24+$0x7030]  }
0x184: {  	v8 =	vld [tilespmem:s29+$0x7030];
	_ =	sdelay $0x2  }
0x185: {  	v6 =	vmul.f32 v6, v4  }
0x186: {  	v7 =	vmul.f32 v7, v3  }
0x187: {  	v8 =	vmul.f32 v8, v5  }
0x188: {  	v6 =	vadd.f32 v7, v6;
	_ =	sdelay $0x1  }
0x189: {  	v6 =	vadd.f32 v8, v6;
	_ =	sdelay $0x1  }
0x18a: {  	[tilespmem:s30+$0x430] =	vst v6  }
0x18b: {  	v6 =	vld [tilespmem:s25+$0x7040]  }
0x18c: {  	v7 =	vld [tilespmem:s24+$0x7040]  }
0x18d: {  	v8 =	vld [tilespmem:s29+$0x7040];
	_ =	sdelay $0x2  }
0x18e: {  	v6 =	vmul.f32 v6, v4  }
0x18f: {  	v7 =	vmul.f32 v7, v3  }
0x190: {  	v8 =	vmul.f32 v8, v5  }
0x191: {  	v6 =	vadd.f32 v7, v6;
	_ =	sdelay $0x1  }
0x192: {  	v6 =	vadd.f32 v8, v6;
	_ =	sdelay $0x1  }
0x193: {  	[tilespmem:s30+$0x440] =	vst v6  }
0x194: {  	v6 =	vld [tilespmem:s24+$0x7050]  }
0x195: {  	v7 =	vld [tilespmem:s25+$0x7050]  }
0x196: {  	v8 =	vld [tilespmem:s29+$0x7050];
	_ =	sdelay $0x2  }
.Ltmp0:
0x197: {  	(pc) =	sbr.rel @p0 .LBB2_3-.Ltmp0, $3  }
0x198: {  	v6 =	vmul.f32 v6, v3;
	v7 =	vmul.f32 v7, v4;
	_ =	sdelay $0x1  }
0x199: {  	v6 =	vadd.f32 v6, v7;
	v7 =	vmul.f32 v8, v5  }
0x19a: {  	s0 =	sadd.s32 $0x180, s0  }
0x19b: {  	v6 =	vadd.f32 v7, v6;
	_ =	sdelay $0x1  }
0x19c: {  	[tilespmem:s30+$0x450] =	vst v6  }
0x19d: {  	v6 =	vld [tilespmem:s25+$0x7060]  }
0x19e: {  	v59 =	vld [tilespmem:s24+$0x7060];
	_ =	sdelay $0x1  }
0x19f: {  	v8 =	vld [tilespmem:s29+$0x7060];
	_ =	sdelay $0x2  }
0x1a0: {  	v6 =	vmul.f32 v6, v4;
	v7 =	vmul.f32 v59, v3;
	_ =	sdelay $0x1  }
0x1a1: {  	v8 =	vmul.f32 v8, v5;
	v6 =	vadd.f32 v7, v6;
	_ =	sdelay $0x1  }
0x1a2: {  	v6 =	vadd.f32 v8, v6;
	_ =	sdelay $0x1  }
0x1a3: {  	[tilespmem:s30+$0x460] =	vst v6  }
0x1a4: {  	v6 =	vld [tilespmem:s25+$0x7070]  }
0x1a5: {  	v60 =	vld [tilespmem:s24+$0x7070];
	_ =	sdelay $0x1  }
0x1a6: {  	v61 =	vld [tilespmem:s29+$0x7070];
	_ =	sdelay $0x2  }
0x1a7: {  	v62 =	vmul.f32 v6, v4;
	v3 =	vmul.f32 v60, v3;
	_ =	sdelay $0x1  }
0x1a8: {  	v63 =	vmul.f32 v61, v5;
	v3 =	vadd.f32 v3, v62;
	_ =	sdelay $0x1  }
0x1a9: {  	s0 =	sshll.u32 s22, $0xB;
	v3 =	vadd.f32 v63, v3  }
0x1aa: {  	s23 =	sadd.s32 s9, s0  }
0x1ab: {  	s0 =	sadd.s32 s5, s23;
	[tilespmem:s30+$0x470] =	vst v3  }
0x1ac: {  	[hbm4b:s0+s3] =	stream.linear.scatter [tilespmem:s18], [sflag:$0x6], $0x2000, $0x38;
	[tilespmem:$0x14C00] =	vst v63  }
0x1ad: {  	_ =	swait.ge [sflag:s19], $0x2000  }
0x1ae: {  	[sflag:s19] =	ssyncset.done $0x0  }
0x1af: {  	[sflag:s19] =	ssyncadd.s32 $0xFFFFE000  }
0x1b0: {  	p0 =	seq.s32 s22, $0xF;
	_ =	swait.ge [sflag:s20], $0x6000  }
.Ltmp1:
0x1b1: {  	[sflag:s20] =	ssyncset.done $0x0;
	(pc) =	sbr.rel @p0 .LBB2_6-.Ltmp1, $4  }
0x1b2: {  	[sflag:s20] =	ssyncadd.s32 $0xFFFFA000  }
0x1b3: {  	_ =	swait.ge [sflag:s21], $0x3000  }
0x1b4: {  	[sflag:s21] =	ssyncset.done $0x0  }
0x1b5: {  	[sflag:s21] =	ssyncadd.s32 $0xFFFFD000  }
0x1b6: {  	s0 =	sadd.s32 $0x2, s31  }
0x1b7: {  	s1 =	smul.u32 $0x180, s0;
	_ =	sdelay $0x1  }
0x1b8: {  	s1 =	sshra.s32 s1, $0x2  }
0x1b9: {  	v3 =	vld [tilespmem:s1+$0x0];
	_ =	sdelay $0x4  }
0x1ba: {  	v4 =	vshll.u32 v3, $0x1  }
0x1bb: {  	v3 =	vand.u32 $0x7, v3;
	v4 =	vand.u32 $0xFFFFFFF0, v4  }
0x1bc: {  	v3 =	vor.u32 v3, v4  }
0x1bd: {  	v4 =	vperm.xlane v3, v0;
	_ =	sdelay $0x1  }
0x1be: {  	v3 =	vperm.xlane v3, v2;
	v4 =	vadd.s32 v1, v4;
	_ =	sdelay $0x1  }
0x1bf: {  	v3 =	vadd.s32 v1, v3;
	_ =	sdelay $0x1  }
0x1c0: {  	s7 =	simm.s32 $0x6C00  }
0x1c1: {  	[tilespmem:s7], [sflag:$0x1] =	stream.indirect_vreg.gather [hbm4b:s2+s3], $0x80, v4, vm0, $0xb8;
	[tilespmem:$0x14C00] =	vst v63  }
0x1c2: {  	s8 =	simm.s32 $0x7400  }
0x1c3: {  	[tilespmem:s8], [sflag:$0x1] =	stream.indirect_vreg.gather [hbm4b:s2+s3], $0x80, v3, vm0, $0xb8;
	[tilespmem:$0x14C00] =	vst v63  }
0x1c4: {  	v3 =	vld [tilespmem:s1+$0x10];
	_ =	sdelay $0x4  }
0x1c5: {  	v59 =	vshll.u32 v3, $0x1  }
0x1c6: {  	v3 =	vand.u32 $0x7, v3;
	v4 =	vand.u32 $0xFFFFFFF0, v59  }
0x1c7: {  	v3 =	vor.u32 v3, v4  }
0x1c8: {  	v4 =	vperm.xlane v3, v0;
	_ =	sdelay $0x1  }
0x1c9: {  	v3 =	vperm.xlane v3, v2;
	v4 =	vadd.s32 v1, v4;
	_ =	sdelay $0x1  }
0x1ca: {  	v3 =	vadd.s32 v1, v3;
	_ =	sdelay $0x1  }
0x1cb: {  	s11 =	simm.s32 $0x7C00  }
0x1cc: {  	[tilespmem:s11], [sflag:$0x1] =	stream.indirect_vreg.gather [hbm4b:s2+s3], $0x80, v4, vm0, $0xb8;
	[tilespmem:$0x14C00] =	vst v63  }
0x1cd: {  	s13 =	simm.s32 $0x8400  }
0x1ce: {  	[tilespmem:s13], [sflag:$0x1] =	stream.indirect_vreg.gather [hbm4b:s2+s3], $0x80, v3, vm0, $0xb8;
	[tilespmem:$0x14C00] =	vst v63  }
0x1cf: {  	v3 =	vld [tilespmem:s1+$0x20];
	_ =	sdelay $0x4  }
0x1d0: {  	v60 =	vshll.u32 v3, $0x1  }
0x1d1: {  	v3 =	vand.u32 $0x7, v3;
	v4 =	vand.u32 $0xFFFFFFF0, v60  }
0x1d2: {  	v3 =	vor.u32 v3, v4  }
0x1d3: {  	v4 =	vperm.xlane v3, v0;
	_ =	sdelay $0x1  }
0x1d4: {  	v3 =	vperm.xlane v3, v2;
	v4 =	vadd.s32 v1, v4;
	_ =	sdelay $0x1  }
0x1d5: {  	v3 =	vadd.s32 v1, v3;
	_ =	sdelay $0x1  }
0x1d6: {  	s14 =	simm.s32 $0x8C00  }
0x1d7: {  	[tilespmem:s14], [sflag:$0x1] =	stream.indirect_vreg.gather [hbm4b:s2+s3], $0x80, v4, vm0, $0xb8;
	[tilespmem:$0x14C00] =	vst v63  }
0x1d8: {  	s15 =	simm.s32 $0x9400  }
0x1d9: {  	[tilespmem:s15], [sflag:$0x1] =	stream.indirect_vreg.gather [hbm4b:s2+s3], $0x80, v3, vm0, $0xb8;
	[tilespmem:$0x14C00] =	vst v63  }
0x1da: {  	v3 =	vld [tilespmem:s1+$0x30];
	_ =	sdelay $0x4  }
0x1db: {  	v61 =	vshll.u32 v3, $0x1  }
0x1dc: {  	v3 =	vand.u32 $0x7, v3;
	v4 =	vand.u32 $0xFFFFFFF0, v61  }
0x1dd: {  	v3 =	vor.u32 v3, v4  }
0x1de: {  	v4 =	vperm.xlane v3, v0;
	_ =	sdelay $0x1  }
0x1df: {  	v3 =	vperm.xlane v3, v2;
	v4 =	vadd.s32 v1, v4;
	_ =	sdelay $0x1  }
0x1e0: {  	v3 =	vadd.s32 v1, v3;
	_ =	sdelay $0x1  }
0x1e1: {  	s16 =	simm.s32 $0x9C00  }
0x1e2: {  	[tilespmem:s16], [sflag:$0x1] =	stream.indirect_vreg.gather [hbm4b:s2+s3], $0x80, v4, vm0, $0xb8;
	[tilespmem:$0x14C00] =	vst v63  }
0x1e3: {  	s17 =	simm.s32 $0xA400  }
0x1e4: {  	[tilespmem:s17], [sflag:$0x1] =	stream.indirect_vreg.gather [hbm4b:s2+s3], $0x80, v3, vm0, $0xb8;
	[tilespmem:$0x14C00] =	vst v63  }
0x1e5: {  	v3 =	vld [tilespmem:s1+$0x40];
	_ =	sdelay $0x4  }
0x1e6: {  	v62 =	vshll.u32 v3, $0x1  }
0x1e7: {  	v3 =	vand.u32 $0x7, v3;
	v4 =	vand.u32 $0xFFFFFFF0, v62  }
0x1e8: {  	v3 =	vor.u32 v3, v4  }
0x1e9: {  	v4 =	vperm.xlane v3, v0;
	_ =	sdelay $0x1  }
0x1ea: {  	v3 =	vperm.xlane v3, v2;
	v4 =	vadd.s32 v1, v4;
	_ =	sdelay $0x1  }
0x1eb: {  	v3 =	vadd.s32 v1, v3;
	_ =	sdelay $0x1  }
0x1ec: {  	s24 =	simm.s32 $0xAC00  }
0x1ed: {  	[tilespmem:s24], [sflag:$0x1] =	stream.indirect_vreg.gather [hbm4b:s2+s3], $0x80, v4, vm0, $0xb8;
	[tilespmem:$0x14C00] =	vst v63  }
0x1ee: {  	s25 =	simm.s32 $0xB400  }
0x1ef: {  	[tilespmem:s25], [sflag:$0x1] =	stream.indirect_vreg.gather [hbm4b:s2+s3], $0x80, v3, vm0, $0xb8;
	[tilespmem:$0x14C00] =	vst v63  }
0x1f0: {  	v3 =	vld [tilespmem:s1+$0x50];
	_ =	sdelay $0x4  }
0x1f1: {  	v63 =	vshll.u32 v3, $0x1  }
0x1f2: {  	v3 =	vand.u32 $0x7, v3;
	v4 =	vand.u32 $0xFFFFFFF0, v63  }
0x1f3: {  	v3 =	vor.u32 v3, v4  }
0x1f4: {  	v4 =	vperm.xlane v3, v0;
	_ =	sdelay $0x1  }
0x1f5: {  	v3 =	vperm.xlane v3, v2;
	v4 =	vadd.s32 v1, v4;
	_ =	sdelay $0x1  }
0x1f6: {  	v3 =	vadd.s32 v1, v3  }
0x1f7: {  	s0 =	sshll.u32 s0, $0x5  }
0x1f8: {  	s29 =	simm.s32 $0xBC00;
	s0 =	sadd.s32 s6, s0  }
0x1f9: {  	[tilespmem:s29], [sflag:$0x1] =	stream.indirect_vreg.gather [hbm4b:s2+s3], $0x80, v4, vm0, $0xb8;
	[tilespmem:$0x14C00] =	vst v63  }
0x1fa: {  	s30 =	simm.s32 $0xC400;
	s0 =	smul.u32 $0x30, s0  }
0x1fb: {  	[tilespmem:s30], [sflag:$0x1] =	stream.indirect_vreg.gather [hbm4b:s2+s3], $0x80, v3, vm0, $0xb8;
	[tilespmem:$0x14C00] =	vst v63  }
0x1fc: {  	s31 =	simm.s32 $0xC00;
	s0 =	sadd.s32 s4, s0  }
0x1fd: {  	[tilespmem:s31], [sflag:$0x3] =	stream.linear.gather [hbm4b:s0+s3], $0x3000, $0x38;
	[tilespmem:$0x14C00] =	vst v63  }
.LBB2_6:
0x1fe: {  	s24 =	simm.s32 $0x0;
	s0 =	simm.s32 $0x3D00;
	s8 =	simm.s32 $0x100  }
0x1ff: {  	s11 =	simm.s32 $0x80;
	s1 =	sand.u32 $0x7800, s24;
	s7 =	sand.u32 $0x380, s24;
	v3 =	vld [tilespmem:s0+$0xFFFFFF80]  }
0x200: {  	s8 =	sand.u32 $0xF800, s8;
	s11 =	sand.u32 $0x380, s11;
	v4 =	vld [tilespmem:s0+$0xFFFFFF00];
	s29 =	sor.u32 s7, s1  }
0x201: {  	s14 =	simm.s32 $0x200;
	s15 =	simm.s32 $0x100;
	s25 =	sor.u32 s11, s8;
	v6 =	vld [tilespmem:s29+$0xCC00]  }
0x202: {  	s7 =	sand.u32 $0x380, s15;
	s1 =	sand.u32 $0xF800, s14;
	v7 =	vld [tilespmem:s25+$0xCC00]  }
0x203: {  	v5 =	vld [tilespmem:s0+$0x0];
	s30 =	sor.u32 s7, s1  }
0x204: {  	v8 =	vld [tilespmem:s30+$0xCC00];
	_ =	sdelay $0x2  }
0x205: {  	v6 =	vmul.f32 v6, v4;
	v7 =	vmul.f32 v7, v3;
	_ =	sdelay $0x1  }
0x206: {  	v6 =	vadd.f32 v7, v6;
	v7 =	vmul.f32 v8, v5;
	_ =	sdelay $0x1  }
0x207: {  	s16 =	sand.u32 $0x1800, s24;
	s17 =	sand.u32 $0x380, s24;
	v6 =	vadd.f32 v7, v6  }
0x208: {  	s0 =	sor.u32 s17, s16  }
0x209: {  	[tilespmem:s0+$0x12C00] =	vst v6  }
0x20a: {  	v6 =	vld [tilespmem:s29+$0xCC10]  }
0x20b: {  	v7 =	vld [tilespmem:s25+$0xCC10];
	_ =	sdelay $0x1  }
0x20c: {  	v8 =	vld [tilespmem:s30+$0xCC10];
	_ =	sdelay $0x2  }
0x20d: {  	v6 =	vmul.f32 v6, v4;
	v7 =	vmul.f32 v7, v3;
	_ =	sdelay $0x1  }
0x20e: {  	v6 =	vadd.f32 v7, v6;
	v7 =	vmul.f32 v8, v5;
	_ =	sdelay $0x1  }
0x20f: {  	v6 =	vadd.f32 v7, v6  }
0x210: {  	s31 =	sadd.s32 $0x12C00, s0  }
0x211: {  	[tilespmem:s31+$0x10] =	vst v6  }
0x212: {  	v6 =	vld [tilespmem:s29+$0xCC20]  }
0x213: {  	v7 =	vld [tilespmem:s25+$0xCC20];
	_ =	sdelay $0x1  }
0x214: {  	v8 =	vld [tilespmem:s30+$0xCC20];
	_ =	sdelay $0x2  }
0x215: {  	v6 =	vmul.f32 v6, v4;
	v7 =	vmul.f32 v7, v3;
	_ =	sdelay $0x1  }
0x216: {  	v6 =	vadd.f32 v7, v6;
	v7 =	vmul.f32 v8, v5;
	_ =	sdelay $0x1  }
0x217: {  	v6 =	vadd.f32 v7, v6;
	_ =	sdelay $0x1  }
0x218: {  	[tilespmem:s31+$0x20] =	vst v6  }
0x219: {  	v6 =	vld [tilespmem:s29+$0xCC30]  }
0x21a: {  	v7 =	vld [tilespmem:s25+$0xCC30];
	_ =	sdelay $0x1  }
0x21b: {  	v8 =	vld [tilespmem:s30+$0xCC30];
	_ =	sdelay $0x2  }
0x21c: {  	v6 =	vmul.f32 v6, v4;
	v7 =	vmul.f32 v7, v3;
	_ =	sdelay $0x1  }
0x21d: {  	v8 =	vmul.f32 v8, v5;
	v6 =	vadd.f32 v7, v6;
	_ =	sdelay $0x1  }
0x21e: {  	v6 =	vadd.f32 v8, v6;
	_ =	sdelay $0x1  }
0x21f: {  	[tilespmem:s31+$0x30] =	vst v6  }
0x220: {  	v6 =	vld [tilespmem:s29+$0xCC40]  }
0x221: {  	v7 =	vld [tilespmem:s25+$0xCC40];
	_ =	sdelay $0x1  }
0x222: {  	v8 =	vld [tilespmem:s30+$0xCC40];
	_ =	sdelay $0x2  }
0x223: {  	v6 =	vmul.f32 v6, v4;
	v7 =	vmul.f32 v7, v3;
	_ =	sdelay $0x1  }
0x224: {  	v8 =	vmul.f32 v8, v5;
	v6 =	vadd.f32 v7, v6;
	_ =	sdelay $0x1  }
0x225: {  	v6 =	vadd.f32 v8, v6;
	_ =	sdelay $0x1  }
0x226: {  	[tilespmem:s31+$0x40] =	vst v6  }
0x227: {  	v6 =	vld [tilespmem:s25+$0xCC50]  }
0x228: {  	v7 =	vld [tilespmem:s29+$0xCC50];
	_ =	sdelay $0x1  }
0x229: {  	v8 =	vld [tilespmem:s30+$0xCC50];
	_ =	sdelay $0x2  }
0x22a: {  	v6 =	vmul.f32 v6, v3;
	v7 =	vmul.f32 v7, v4;
	_ =	sdelay $0x1  }
0x22b: {  	v8 =	vmul.f32 v8, v5;
	v6 =	vadd.f32 v6, v7;
	_ =	sdelay $0x1  }
0x22c: {  	v6 =	vadd.f32 v8, v6;
	_ =	sdelay $0x1  }
0x22d: {  	[tilespmem:s31+$0x50] =	vst v6  }
0x22e: {  	v6 =	vld [tilespmem:s29+$0xCC60]  }
0x22f: {  	v7 =	vld [tilespmem:s25+$0xCC60];
	_ =	sdelay $0x1  }
0x230: {  	v8 =	vld [tilespmem:s30+$0xCC60];
	_ =	sdelay $0x2  }
0x231: {  	v6 =	vmul.f32 v6, v4;
	v7 =	vmul.f32 v7, v3;
	_ =	sdelay $0x1  }
0x232: {  	v8 =	vmul.f32 v8, v5;
	v6 =	vadd.f32 v7, v6;
	_ =	sdelay $0x1  }
0x233: {  	v6 =	vadd.f32 v8, v6;
	_ =	sdelay $0x1  }
0x234: {  	[tilespmem:s31+$0x60] =	vst v6  }
0x235: {  	v6 =	vld [tilespmem:s29+$0xCC70]  }
0x236: {  	v7 =	vld [tilespmem:s25+$0xCC70];
	_ =	sdelay $0x1  }
0x237: {  	v8 =	vld [tilespmem:s30+$0xCC70];
	_ =	sdelay $0x2  }
0x238: {  	v6 =	vmul.f32 v6, v4;
	v7 =	vmul.f32 v7, v3;
	_ =	sdelay $0x1  }
0x239: {  	v8 =	vmul.f32 v8, v5;
	v6 =	vadd.f32 v7, v6;
	_ =	sdelay $0x1  }
0x23a: {  	v6 =	vadd.f32 v8, v6;
	_ =	sdelay $0x1  }
0x23b: {  	[tilespmem:s31+$0x70] =	vst v6  }
0x23c: {  	v6 =	vld [tilespmem:s29+$0xD000]  }
0x23d: {  	v7 =	vld [tilespmem:s25+$0xD000];
	_ =	sdelay $0x1  }
0x23e: {  	v8 =	vld [tilespmem:s30+$0xD000];
	_ =	sdelay $0x2  }
0x23f: {  	v6 =	vmul.f32 v6, v4;
	v7 =	vmul.f32 v7, v3;
	_ =	sdelay $0x1  }
0x240: {  	v8 =	vmul.f32 v8, v5;
	v6 =	vadd.f32 v7, v6;
	_ =	sdelay $0x1  }
0x241: {  	v6 =	vadd.f32 v8, v6;
	_ =	sdelay $0x1  }
0x242: {  	[tilespmem:s31+$0x400] =	vst v6  }
0x243: {  	v6 =	vld [tilespmem:s29+$0xD010]  }
0x244: {  	v7 =	vld [tilespmem:s25+$0xD010];
	_ =	sdelay $0x1  }
0x245: {  	v8 =	vld [tilespmem:s30+$0xD010];
	_ =	sdelay $0x2  }
0x246: {  	v6 =	vmul.f32 v6, v4;
	v7 =	vmul.f32 v7, v3;
	_ =	sdelay $0x1  }
0x247: {  	v6 =	vadd.f32 v7, v6;
	v7 =	vmul.f32 v8, v5;
	_ =	sdelay $0x1  }
0x248: {  	v6 =	vadd.f32 v7, v6;
	_ =	sdelay $0x1  }
0x249: {  	[tilespmem:s31+$0x410] =	vst v6  }
0x24a: {  	v6 =	vld [tilespmem:s29+$0xD020]  }
0x24b: {  	v7 =	vld [tilespmem:s25+$0xD020];
	_ =	sdelay $0x1  }
0x24c: {  	v8 =	vld [tilespmem:s30+$0xD020];
	_ =	sdelay $0x2  }
0x24d: {  	v6 =	vmul.f32 v6, v4;
	v7 =	vmul.f32 v7, v3;
	_ =	sdelay $0x1  }
0x24e: {  	v8 =	vmul.f32 v8, v5;
	v6 =	vadd.f32 v7, v6;
	_ =	sdelay $0x1  }
0x24f: {  	v6 =	vadd.f32 v8, v6;
	_ =	sdelay $0x1  }
0x250: {  	[tilespmem:s31+$0x420] =	vst v6  }
0x251: {  	v6 =	vld [tilespmem:s29+$0xD030]  }
0x252: {  	v7 =	vld [tilespmem:s25+$0xD030];
	_ =	sdelay $0x1  }
0x253: {  	v8 =	vld [tilespmem:s30+$0xD030];
	_ =	sdelay $0x2  }
0x254: {  	v6 =	vmul.f32 v6, v4;
	v7 =	vmul.f32 v7, v3;
	_ =	sdelay $0x1  }
0x255: {  	v8 =	vmul.f32 v8, v5;
	v6 =	vadd.f32 v7, v6;
	_ =	sdelay $0x1  }
0x256: {  	v6 =	vadd.f32 v8, v6;
	_ =	sdelay $0x1  }
0x257: {  	[tilespmem:s31+$0x430] =	vst v6  }
0x258: {  	v6 =	vld [tilespmem:s29+$0xD040]  }
0x259: {  	v7 =	vld [tilespmem:s25+$0xD040];
	_ =	sdelay $0x1  }
0x25a: {  	v8 =	vld [tilespmem:s30+$0xD040];
	_ =	sdelay $0x2  }
0x25b: {  	v6 =	vmul.f32 v6, v4;
	v7 =	vmul.f32 v7, v3;
	_ =	sdelay $0x1  }
0x25c: {  	v8 =	vmul.f32 v8, v5;
	v6 =	vadd.f32 v7, v6;
	_ =	sdelay $0x1  }
0x25d: {  	v6 =	vadd.f32 v8, v6;
	_ =	sdelay $0x1  }
0x25e: {  	[tilespmem:s31+$0x440] =	vst v6  }
0x25f: {  	v6 =	vld [tilespmem:s25+$0xD050]  }
0x260: {  	v7 =	vld [tilespmem:s29+$0xD050];
	_ =	sdelay $0x1  }
0x261: {  	v8 =	vld [tilespmem:s30+$0xD050];
	_ =	sdelay $0x2  }
0x262: {  	v7 =	vmul.f32 v7, v4;
	v6 =	vmul.f32 v6, v3;
	_ =	sdelay $0x1  }
0x263: {  	s8 =	simm.s32 $0x0;
	v6 =	vadd.f32 v6, v7;
	v7 =	vmul.f32 v8, v5  }
0x264: {  	s1 =	simm.s32 $0x180;
	s7 =	simm.s32 $0x0;
	s0 =	simm.s32 $0x3E80  }
.LBB2_7:
0x265: {  	v6 =	vadd.f32 v7, v6;
	s24 =	sadd.s32 $0x80, s24;
	s7 =	sadd.s32 $0x100, s7;
	s8 =	sadd.s32 $0x300, s8  }
0x266: {  	p0 =	sne.s32 s1, $0x2E80;
	s11 =	smov.u32 s1;
	s1 =	sadd.s32 $0x180, s1  }
0x267: {  	[tilespmem:s31+$0x450] =	vst v6  }
0x268: {  	v6 =	vld [tilespmem:s29+$0xD060]  }
0x269: {  	v7 =	vld [tilespmem:s25+$0xD060]  }
0x26a: {  	v8 =	vld [tilespmem:s30+$0xD060];
	_ =	sdelay $0x2  }
0x26b: {  	v6 =	vmul.f32 v6, v4  }
0x26c: {  	v7 =	vmul.f32 v7, v3  }
0x26d: {  	v8 =	vmul.f32 v8, v5  }
0x26e: {  	v6 =	vadd.f32 v7, v6;
	_ =	sdelay $0x1  }
0x26f: {  	v6 =	vadd.f32 v8, v6  }
0x270: {  	s13 =	sadd.s32 $0x200, s8;
	s14 =	sadd.s32 $0x100, s11  }
0x271: {  	s15 =	sand.u32 $0x7800, s8;
	s16 =	sand.u32 $0x380, s11;
	s14 =	sand.u32 $0x380, s14;
	[tilespmem:s31+$0x460] =	vst v6  }
0x272: {  	s17 =	sadd.s32 $0x100, s8;
	s11 =	sadd.s32 $0x80, s11;
	s13 =	sand.u32 $0xF800, s13;
	v6 =	vld [tilespmem:s29+$0xD070]  }
0x273: {  	s17 =	sand.u32 $0xF800, s17;
	s11 =	sand.u32 $0x380, s11;
	s13 =	sor.u32 s14, s13;
	v7 =	vld [tilespmem:s25+$0xD070]  }
0x274: {  	s29 =	sor.u32 s16, s15;
	s25 =	sor.u32 s11, s17;
	v8 =	vld [tilespmem:s30+$0xD070];
	s30 =	smov.u32 s13  }
0x275: {  	_ =	sdelay $0x1  }
0x276: {  	v4 =	vmul.f32 v6, v4  }
0x277: {  	v3 =	vmul.f32 v7, v3  }
0x278: {  	v5 =	vmul.f32 v8, v5  }
0x279: {  	v3 =	vadd.f32 v3, v4;
	_ =	sdelay $0x1  }
0x27a: {  	v3 =	vadd.f32 v5, v3;
	_ =	sdelay $0x1  }
0x27b: {  	[tilespmem:s31+$0x470] =	vst v3  }
0x27c: {  	v3 =	vld [tilespmem:s0+$0xFFFFFF80]  }
0x27d: {  	v6 =	vld [tilespmem:s29+$0xCC00]  }
0x27e: {  	v7 =	vld [tilespmem:s25+$0xCC00]  }
0x27f: {  	v4 =	vld [tilespmem:s0+$0xFFFFFF00]  }
0x280: {  	v8 =	vld [tilespmem:s30+$0xCC00]  }
0x281: {  	v5 =	vld [tilespmem:s0+$0x0];
	_ =	sdelay $0x2  }
0x282: {  	v7 =	vmul.f32 v7, v3;
	v6 =	vmul.f32 v6, v4;
	_ =	sdelay $0x1  }
0x283: {  	v6 =	vadd.f32 v7, v6;
	v7 =	vmul.f32 v8, v5;
	_ =	sdelay $0x1  }
0x284: {  	s11 =	sand.u32 $0x1800, s7;
	s13 =	sand.u32 $0x380, s24;
	v6 =	vadd.f32 v7, v6  }
0x285: {  	s11 =	sor.u32 s13, s11  }
0x286: {  	[tilespmem:s11+$0x12C00] =	vst v6  }
0x287: {  	v6 =	vld [tilespmem:s29+$0xCC10]  }
0x288: {  	v7 =	vld [tilespmem:s25+$0xCC10];
	_ =	sdelay $0x1  }
0x289: {  	v8 =	vld [tilespmem:s30+$0xCC10];
	_ =	sdelay $0x1  }
0x28a: {  	v6 =	vmul.f32 v6, v4  }
0x28b: {  	v7 =	vmul.f32 v7, v3;
	_ =	sdelay $0x1  }
0x28c: {  	v6 =	vadd.f32 v7, v6;
	v7 =	vmul.f32 v8, v5;
	_ =	sdelay $0x1  }
0x28d: {  	v6 =	vadd.f32 v7, v6  }
0x28e: {  	s31 =	sadd.s32 $0x12C00, s11  }
0x28f: {  	[tilespmem:s31+$0x10] =	vst v6  }
0x290: {  	v6 =	vld [tilespmem:s29+$0xCC20]  }
0x291: {  	v7 =	vld [tilespmem:s25+$0xCC20];
	_ =	sdelay $0x1  }
0x292: {  	v8 =	vld [tilespmem:s30+$0xCC20];
	_ =	sdelay $0x1  }
0x293: {  	v6 =	vmul.f32 v6, v4  }
0x294: {  	v7 =	vmul.f32 v7, v3;
	_ =	sdelay $0x1  }
0x295: {  	v6 =	vadd.f32 v7, v6;
	v7 =	vmul.f32 v8, v5;
	_ =	sdelay $0x1  }
0x296: {  	v6 =	vadd.f32 v7, v6;
	_ =	sdelay $0x1  }
0x297: {  	[tilespmem:s31+$0x20] =	vst v6  }
0x298: {  	v6 =	vld [tilespmem:s29+$0xCC30]  }
0x299: {  	v7 =	vld [tilespmem:s25+$0xCC30]  }
0x29a: {  	v8 =	vld [tilespmem:s30+$0xCC30];
	_ =	sdelay $0x2  }
0x29b: {  	v6 =	vmul.f32 v6, v4  }
0x29c: {  	v7 =	vmul.f32 v7, v3  }
0x29d: {  	v8 =	vmul.f32 v8, v5  }
0x29e: {  	v6 =	vadd.f32 v7, v6;
	_ =	sdelay $0x1  }
0x29f: {  	v6 =	vadd.f32 v8, v6;
	_ =	sdelay $0x1  }
0x2a0: {  	[tilespmem:s31+$0x30] =	vst v6  }
0x2a1: {  	v6 =	vld [tilespmem:s29+$0xCC40]  }
0x2a2: {  	v7 =	vld [tilespmem:s25+$0xCC40]  }
0x2a3: {  	v8 =	vld [tilespmem:s30+$0xCC40];
	_ =	sdelay $0x2  }
0x2a4: {  	v6 =	vmul.f32 v6, v4  }
0x2a5: {  	v7 =	vmul.f32 v7, v3  }
0x2a6: {  	v8 =	vmul.f32 v8, v5  }
0x2a7: {  	v6 =	vadd.f32 v7, v6;
	_ =	sdelay $0x1  }
0x2a8: {  	v6 =	vadd.f32 v8, v6;
	_ =	sdelay $0x1  }
0x2a9: {  	[tilespmem:s31+$0x40] =	vst v6  }
0x2aa: {  	v6 =	vld [tilespmem:s25+$0xCC50]  }
0x2ab: {  	v7 =	vld [tilespmem:s29+$0xCC50]  }
0x2ac: {  	v8 =	vld [tilespmem:s30+$0xCC50];
	_ =	sdelay $0x2  }
0x2ad: {  	v6 =	vmul.f32 v6, v3  }
0x2ae: {  	v7 =	vmul.f32 v7, v4  }
0x2af: {  	v8 =	vmul.f32 v8, v5  }
0x2b0: {  	v6 =	vadd.f32 v6, v7;
	_ =	sdelay $0x1  }
0x2b1: {  	v6 =	vadd.f32 v8, v6;
	_ =	sdelay $0x1  }
0x2b2: {  	[tilespmem:s31+$0x50] =	vst v6  }
0x2b3: {  	v6 =	vld [tilespmem:s29+$0xCC60]  }
0x2b4: {  	v7 =	vld [tilespmem:s25+$0xCC60]  }
0x2b5: {  	v8 =	vld [tilespmem:s30+$0xCC60];
	_ =	sdelay $0x2  }
0x2b6: {  	v6 =	vmul.f32 v6, v4  }
0x2b7: {  	v7 =	vmul.f32 v7, v3  }
0x2b8: {  	v8 =	vmul.f32 v8, v5  }
0x2b9: {  	v6 =	vadd.f32 v7, v6;
	_ =	sdelay $0x1  }
0x2ba: {  	v6 =	vadd.f32 v8, v6;
	_ =	sdelay $0x1  }
0x2bb: {  	[tilespmem:s31+$0x60] =	vst v6  }
0x2bc: {  	v6 =	vld [tilespmem:s29+$0xCC70]  }
0x2bd: {  	v7 =	vld [tilespmem:s25+$0xCC70]  }
0x2be: {  	v8 =	vld [tilespmem:s30+$0xCC70];
	_ =	sdelay $0x2  }
0x2bf: {  	v6 =	vmul.f32 v6, v4  }
0x2c0: {  	v7 =	vmul.f32 v7, v3  }
0x2c1: {  	v8 =	vmul.f32 v8, v5  }
0x2c2: {  	v6 =	vadd.f32 v7, v6;
	_ =	sdelay $0x1  }
0x2c3: {  	v6 =	vadd.f32 v8, v6;
	_ =	sdelay $0x1  }
0x2c4: {  	[tilespmem:s31+$0x70] =	vst v6  }
0x2c5: {  	v6 =	vld [tilespmem:s29+$0xD000]  }
0x2c6: {  	v7 =	vld [tilespmem:s25+$0xD000]  }
0x2c7: {  	v8 =	vld [tilespmem:s30+$0xD000];
	_ =	sdelay $0x2  }
0x2c8: {  	v6 =	vmul.f32 v6, v4  }
0x2c9: {  	v7 =	vmul.f32 v7, v3  }
0x2ca: {  	v8 =	vmul.f32 v8, v5  }
0x2cb: {  	v6 =	vadd.f32 v7, v6;
	_ =	sdelay $0x1  }
0x2cc: {  	v6 =	vadd.f32 v8, v6;
	_ =	sdelay $0x1  }
0x2cd: {  	[tilespmem:s31+$0x400] =	vst v6  }
0x2ce: {  	v6 =	vld [tilespmem:s29+$0xD010]  }
0x2cf: {  	v7 =	vld [tilespmem:s25+$0xD010]  }
0x2d0: {  	v8 =	vld [tilespmem:s30+$0xD010];
	_ =	sdelay $0x2  }
0x2d1: {  	v6 =	vmul.f32 v6, v4  }
0x2d2: {  	v7 =	vmul.f32 v7, v3;
	_ =	sdelay $0x1  }
0x2d3: {  	v6 =	vadd.f32 v7, v6;
	v7 =	vmul.f32 v8, v5;
	_ =	sdelay $0x1  }
0x2d4: {  	v6 =	vadd.f32 v7, v6;
	_ =	sdelay $0x1  }
0x2d5: {  	[tilespmem:s31+$0x410] =	vst v6  }
0x2d6: {  	v6 =	vld [tilespmem:s29+$0xD020]  }
0x2d7: {  	v7 =	vld [tilespmem:s25+$0xD020]  }
0x2d8: {  	v8 =	vld [tilespmem:s30+$0xD020];
	_ =	sdelay $0x2  }
0x2d9: {  	v6 =	vmul.f32 v6, v4  }
0x2da: {  	v7 =	vmul.f32 v7, v3  }
0x2db: {  	v8 =	vmul.f32 v8, v5  }
0x2dc: {  	v6 =	vadd.f32 v7, v6;
	_ =	sdelay $0x1  }
0x2dd: {  	v6 =	vadd.f32 v8, v6;
	_ =	sdelay $0x1  }
0x2de: {  	[tilespmem:s31+$0x420] =	vst v6  }
0x2df: {  	v6 =	vld [tilespmem:s29+$0xD030]  }
0x2e0: {  	v7 =	vld [tilespmem:s25+$0xD030]  }
0x2e1: {  	v8 =	vld [tilespmem:s30+$0xD030];
	_ =	sdelay $0x2  }
0x2e2: {  	v6 =	vmul.f32 v6, v4  }
0x2e3: {  	v7 =	vmul.f32 v7, v3  }
0x2e4: {  	v8 =	vmul.f32 v8, v5  }
0x2e5: {  	v6 =	vadd.f32 v7, v6;
	_ =	sdelay $0x1  }
0x2e6: {  	v6 =	vadd.f32 v8, v6;
	_ =	sdelay $0x1  }
0x2e7: {  	[tilespmem:s31+$0x430] =	vst v6  }
0x2e8: {  	v6 =	vld [tilespmem:s29+$0xD040]  }
0x2e9: {  	v7 =	vld [tilespmem:s25+$0xD040]  }
0x2ea: {  	v8 =	vld [tilespmem:s30+$0xD040];
	_ =	sdelay $0x2  }
0x2eb: {  	v6 =	vmul.f32 v6, v4  }
0x2ec: {  	v7 =	vmul.f32 v7, v3  }
0x2ed: {  	v8 =	vmul.f32 v8, v5  }
0x2ee: {  	v6 =	vadd.f32 v7, v6;
	_ =	sdelay $0x1  }
0x2ef: {  	v6 =	vadd.f32 v8, v6;
	_ =	sdelay $0x1  }
0x2f0: {  	[tilespmem:s31+$0x440] =	vst v6  }
0x2f1: {  	v6 =	vld [tilespmem:s25+$0xD050]  }
0x2f2: {  	v7 =	vld [tilespmem:s29+$0xD050]  }
0x2f3: {  	v8 =	vld [tilespmem:s30+$0xD050];
	_ =	sdelay $0x2  }
.Ltmp2:
0x2f4: {  	(pc) =	sbr.rel @p0 .LBB2_7-.Ltmp2, $3  }
0x2f5: {  	v6 =	vmul.f32 v6, v3;
	v7 =	vmul.f32 v7, v4;
	_ =	sdelay $0x1  }
0x2f6: {  	v6 =	vadd.f32 v6, v7;
	v7 =	vmul.f32 v8, v5  }
0x2f7: {  	s0 =	sadd.s32 $0x180, s0  }
0x2f8: {  	v6 =	vadd.f32 v7, v6;
	_ =	sdelay $0x1  }
0x2f9: {  	[tilespmem:s31+$0x450] =	vst v6  }
0x2fa: {  	v6 =	vld [tilespmem:s29+$0xD060]  }
0x2fb: {  	v59 =	vld [tilespmem:s25+$0xD060];
	_ =	sdelay $0x1  }
0x2fc: {  	v8 =	vld [tilespmem:s30+$0xD060];
	_ =	sdelay $0x2  }
0x2fd: {  	v6 =	vmul.f32 v6, v4;
	v7 =	vmul.f32 v59, v3;
	_ =	sdelay $0x1  }
0x2fe: {  	v8 =	vmul.f32 v8, v5;
	v6 =	vadd.f32 v7, v6;
	_ =	sdelay $0x1  }
0x2ff: {  	v6 =	vadd.f32 v8, v6;
	_ =	sdelay $0x1  }
0x300: {  	[tilespmem:s31+$0x460] =	vst v6  }
0x301: {  	v6 =	vld [tilespmem:s29+$0xD070]  }
0x302: {  	v60 =	vld [tilespmem:s25+$0xD070];
	_ =	sdelay $0x1  }
0x303: {  	v61 =	vld [tilespmem:s30+$0xD070];
	_ =	sdelay $0x2  }
0x304: {  	v62 =	vmul.f32 v6, v4;
	v3 =	vmul.f32 v60, v3;
	_ =	sdelay $0x1  }
0x305: {  	v63 =	vmul.f32 v61, v5;
	v3 =	vadd.f32 v3, v62;
	_ =	sdelay $0x1  }
0x306: {  	s22 =	sadd.s32 $0x1, s22;
	v3 =	vadd.f32 v63, v3  }
0x307: {  	p0 =	sne.s32 s22, $0x10  }
.Ltmp3:
0x308: {  	s0 =	sadd.s32 s23, s10;
	[tilespmem:s31+$0x470] =	vst v3;
	(pc) =	sbr.rel @p0 .LBB2_2-.Ltmp3, $4  }
0x309: {  	[hbm4b:s0+s3] =	stream.linear.scatter [tilespmem:s18], [sflag:$0x5], $0x2000, $0x38;
	[tilespmem:$0x14C00] =	vst v63  }
0x30a: {  	_ =	swait.ge [sflag:s12], $0x2000  }
0x30b: {  	[sflag:s12] =	ssyncset.done $0x0  }
0x30c: {  	[sflag:s12] =	ssyncadd.s32 $0xFFFFE000  }
0x30d: {  	s1 =	rddreg [dreg:$0x6]  }
0x30e: {  	s0 =	rddreg [dreg:$0x5];
	s1 =	sadd.s32 $0x1, s1  }
0x30f: {  	p0 =	sne.s32 s1, s0  }
.Ltmp4:
0x310: {  	_ = 	snop;
	(pc) =	sbr.rel @p0 .LBB2_1-.Ltmp4, $1  }
0x311: {  	_ =	sdelay $0x3  }
0x312: {  	_ =	sfence.sel $0x180000  }
0x313: {  	[bflag:$0x0] =	sbarrier.arrive $0xFFFF  }
0x314: {  	_ =	strace $0x90000047  }
0x315: {  	s0 =	stileid.u32;
	[bflag:$0x2] =	sbarrier.arrive $0xFFFF  }
0x316: {  	p0 =	sne.s32 s0, $0x0;
	s0 =	rddreg [dreg:$0x2]  }
0x317: {  	s0 =	sadd.s32 @!p0 $0x100000, s0  }
0x318: {  	[sflag:s0] =	ssyncadd.tile.s32 @!p0 $0x1;
	_ =	shalt  }
.Lfunc_end2:
_tile_overlayer_lowered:
.L_overlay_start_2:
0x319: {  	(tag) =	ssettag $0x2  }
0x31a: {  	s0 =	rddreg [dreg:$0x0];
	s2 =	stileid.u32  }
0x31b: {  	s1 =	rddreg [dreg:$0x1];
	p0 =	sne.s32 s2, $0x0  }
0x31c: {  	s3 =	rddreg [dreg:$0x2];
	[bflag:$0x3] =	sbarrier.arrive $0xFFFF;
	s2 =	simm.s32 @!p0 $0x1C05  }
0x31d: {  	[timem:s3], [sflag:s2] =	dma.local @!p0 [hbm:s0], s1  }
0x31e: {  	s0 =	simm.s32 @!p0 $0x5  }
0x31f: {  	_ =	swait.ge @!p0 [sflag:s0], s1  }
0x320: {  	s1 =	ssub.s32 @!p0 $0x0, s1;
	[sflag:s0] =	ssyncset.done @!p0 $0x0  }
0x321: {  	[sflag:s0] =	ssyncadd.s32 @!p0 s1  }
0x322: {  	[bflag:$0x3] =	sbarrier.arrive $0xFFFF  }
0x323: {  	_ =	shalt  }

</sc_bundles>
